<compile_context>
chip_gen: v7x
topology: tpu7x:2x2x1
jax: 0.10.2.dev20260603
libtpu: 0.0.44.dev20260713+nightly
codegen_flags: <defaults>
</compile_context>

<pallas_src>
import functools

import jax
import jax.numpy as jnp
from jax import lax
from jax.experimental import pallas as pl
from jax.experimental.pallas import tpu as pltpu
from jax.experimental.pallas import tpu_sc as plsc

_TOP_K = 8
_L = 16


def _logits_block(x_ref, wt_ref, b_ref, out_ref):
    out_ref[...] = jnp.dot(
        x_ref[...], wt_ref[...], preferred_element_type=jnp.float32
    ) + b_ref[...]


def _merge16(ka, va, kb, vb, mask8):
    kc = jnp.where(mask8, ka, lax.rev(kb, (0,)))
    vc = jnp.where(mask8, va, lax.rev(vb, (0,)))
    return plsc.sort_key_val(kc, vc, descending=True)


def _sc_topk(logits_hbm, gates_hbm, idx_hbm, lg_v, g_v, i_v, *, tpw, ne):
    wid = lax.axis_index("s") * 2 + lax.axis_index("c")
    base = wid * tpw
    pltpu.sync_copy(logits_hbm.at[pl.ds(base * ne, tpw * ne)], lg_v)
    iota = lax.iota(jnp.int32, _L)
    mask8 = iota < _TOP_K

    @plsc.parallel_loop(0, tpw, 1, unroll=4)
    def body(t):
        off = t * ne
        ks, vs = [], []
        for j in range(ne // _L):
            kj, vj = plsc.sort_key_val(
                lg_v[pl.ds(off + j * _L, _L)], iota + j * _L,
                descending=True)
            ks.append(kj)
            vs.append(vj)
        k01, v01 = _merge16(ks[0], vs[0], ks[1], vs[1], mask8)
        k23, v23 = _merge16(ks[2], vs[2], ks[3], vs[3], mask8)
        k, v = _merge16(k01, v01, k23, v23, mask8)
        mx = jnp.max(k)
        e = jnp.where(mask8, jnp.exp(k - mx), 0.0)
        g = e / jnp.sum(e)
        plsc.store_compressed(g_v.at[pl.ds(t * _TOP_K, _L)], g, mask=mask8)
        plsc.store_compressed(i_v.at[pl.ds(t * _TOP_K, _L)], v, mask=mask8)

    pltpu.sync_copy(g_v.at[pl.ds(0, tpw * _TOP_K)],
                    gates_hbm.at[pl.ds(base * _TOP_K, tpw * _TOP_K)])
    pltpu.sync_copy(i_v.at[pl.ds(0, tpw * _TOP_K)],
                    idx_hbm.at[pl.ds(base * _TOP_K, tpw * _TOP_K)])


@jax.jit
def kernel(x, W, b):
    B, S, D = x.shape
    E = W.shape[0]
    T = B * S
    x2 = x.reshape(T, D)
    bt = 512
    while T % bt:
        bt //= 2
    logits = pl.pallas_call(
        _logits_block,
        grid=(T // bt,),
        in_specs=[
            pl.BlockSpec((bt, D), lambda i: (i, 0)),
            pl.BlockSpec((D, E), lambda i: (0, 0)),
            pl.BlockSpec((1, E), lambda i: (0, 0)),
        ],
        out_specs=pl.BlockSpec((bt, E), lambda i: (i, 0)),
        out_shape=jax.ShapeDtypeStruct((T, E), jnp.float32),
    )(x2, W.T, b.reshape(1, E))

    nw = 32
    tpw = T // nw
    mesh = plsc.VectorSubcoreMesh(core_axis_name="c", subcore_axis_name="s")
    sc = pl.kernel(
        functools.partial(_sc_topk, tpw=tpw, ne=E),
        out_type=[
            jax.ShapeDtypeStruct((T * _TOP_K,), jnp.float32),
            jax.ShapeDtypeStruct((T * _TOP_K,), jnp.int32),
        ],
        mesh=mesh,
        compiler_params=pltpu.CompilerParams(needs_layout_passes=False),
        scratch_types=[
            pltpu.VMEM((tpw * E,), jnp.float32),
            pltpu.VMEM((tpw * _TOP_K + _L,), jnp.float32),
            pltpu.VMEM((tpw * _TOP_K + _L,), jnp.int32),
        ],
    )
    gates_f, idx_f = sc(logits.reshape(T * E))
    return (gates_f.reshape(B, S, _TOP_K), idx_f.reshape(B, S, _TOP_K))

# --- scband reference (transcript-rebuilt; emitter-appended) ---
"""Pipeline reference for scband-router-71674414235936 (READ-ONLY COPY).

The authoritative reference and input builder live on the scoring server;
editing this copy changes nothing except your own understanding.
"""

import jax, jax.numpy as jnp
import numpy as np

HIDDEN_DIM = 4096
NUM_EXPERTS = 64
TOP_K = 8


def setup_inputs(seed: int = 0) -> dict:
    key = jax.random.key(seed)
    k1, k2, k3 = jax.random.split(key, 3)
    x = jax.random.normal(k1, (4, 8192, HIDDEN_DIM), dtype=jnp.float32)
    # torch nn.Linear params: weight [out, in], bias [out]
    bound = 1.0 / np.sqrt(HIDDEN_DIM)
    W = jax.random.uniform(k2, (NUM_EXPERTS, HIDDEN_DIM), dtype=jnp.float32, minval=-bound, maxval=bound)
    b = jax.random.uniform(k3, (NUM_EXPERTS,), dtype=jnp.float32, minval=-bound, maxval=bound)
    return {"x": x, "W": W, "b": b}


def reference(x, W, b):
    # router_logits = self.router(x)
    router_logits = jnp.einsum('bsd,ed->bse', x, W) + b
    # top_k over experts
    top_k_gates, top_k_indices = jax.lax.top_k(router_logits, TOP_K)
    # softmax over selected top-k logits
    gates = jax.nn.softmax(top_k_gates, axis=-1)
    return (gates, top_k_indices)

if __name__ == "__main__":
    import jax
    _d = setup_inputs()
    print(jax.jit(kernel)(*tuple(_d.values())))

</pallas_src>

<mosaic_0001>
#map = affine_map<(d0, d1) -> (0)>
module attributes {stable_mosaic.version = 14 : i64} {
  func.func @_sc_topk(%arg0: i32, %arg1: i32, %arg2: memref<2097152xf32, #tpu.memory_space<hbm>>, %arg3: memref<262144xf32, #tpu.memory_space<hbm>>, %arg4: memref<262144xi32, #tpu.memory_space<hbm>>, %arg5: memref<65536xf32, #tpu.memory_space<vmem>>, %arg6: memref<8208xf32, #tpu.memory_space<vmem>>, %arg7: memref<8208xi32, #tpu.memory_space<vmem>>) attributes {dimension_semantics = [#tpu.dimension_semantics<core_parallel>, #tpu.dimension_semantics<subcore_parallel>], iteration_bounds = array<i64: 2, 16>, scalar_prefetch = 0 : i64, scratch_operands = 3 : i64, tpu.core_type = #tpu.core_type<sc_vector_subcore>, window_params = [{transform_indices = #map}, {transform_indices = #map}, {transform_indices = #map}]} {
    %mul3A = arith.constant 2 : i32
    %mul3A_0 = arith.muli %arg1, %mul3A : i32
    %add3A = arith.addi %mul3A_0, %arg0 : i32
    %mul3A_1 = arith.constant 1024 : i32
    %mul3A_2 = arith.muli %add3A, %mul3A_1 : i32
    %mul3A_3 = arith.constant 64 : i32
    %mul3A_4 = arith.muli %mul3A_2, %mul3A_3 : i32
    "tpu.region"() ({
      %run_scoped3A = tpu.sem_alloc : memref<!tpu.dma_semaphore, #tpu.memory_space<semaphore_mem>>
      %dma_start3A = tpu.memref_slice %arg2[%mul3A_4] : memref<2097152xf32, #tpu.memory_space<hbm>> -> memref<65536xf32, #tpu.memory_space<hbm>>
      %dma_start3A_13 = tpu.memref_slice %arg2[%mul3A_4] : memref<2097152xf32, #tpu.memory_space<hbm>> -> memref<65536xf32, #tpu.memory_space<hbm>>
      tpu.enqueue_dma source(%dma_start3A_13 : memref<65536xf32, #tpu.memory_space<hbm>>) target(%arg5 : memref<65536xf32, #tpu.memory_space<vmem>>) target_semaphore(%run_scoped3A : memref<!tpu.dma_semaphore, #tpu.memory_space<semaphore_mem>>)
      %dma_wait3A = tpu.memref_slice %arg2[%mul3A_4] : memref<2097152xf32, #tpu.memory_space<hbm>> -> memref<65536xf32, #tpu.memory_space<hbm>>
      %dma_wait3A_14 = tpu.memref_slice %arg2[%mul3A_4] : memref<2097152xf32, #tpu.memory_space<hbm>> -> memref<65536xf32, #tpu.memory_space<hbm>>
      tpu.wait_dma2 semaphore(%run_scoped3A : memref<!tpu.dma_semaphore, #tpu.memory_space<semaphore_mem>>) src(%dma_wait3A_14 : memref<65536xf32, #tpu.memory_space<hbm>>) dst(%arg5 : memref<65536xf32, #tpu.memory_space<vmem>>)
      tpu.yield
    }) : () -> ()
    %iota3A = tpu.iota {dimensions = array<i32: 0>} : vector<16xi32>
    %lt3A = arith.constant 8 : i32
    %lt3A_5 = vector.broadcast %lt3A : i32 to vector<16xi32>
    %lt3A_6 = arith.cmpi slt, %iota3A, %lt3A_5 : vector<16xi32>
    %parallel_loop3A = arith.constant 0 : i32
    %parallel_loop3A_7 = arith.constant 1024 : i32
    %parallel_loop3A_8 = arith.constant 1 : i32
    scf.for %parallel_loop3A_13 = %parallel_loop3A to %parallel_loop3A_7 step %parallel_loop3A_8  : i32 {
      %parallel_loop3A_14 = arith.constant 64 : i32
      %parallel_loop3A_15 = arith.muli %parallel_loop3A_13, %parallel_loop3A_14 : i32
      %parallel_loop3A_16 = arith.constant 0 : i32
      %parallel_loop3A_17 = arith.addi %parallel_loop3A_15, %parallel_loop3A_16 : i32
      %parallel_loop3A_18 = arith.index_cast %parallel_loop3A_17 : i32 to index
      %parallel_loop3A_19 = tpu.vector_load %arg5[%parallel_loop3A_18] {strides = array<i32>} : memref<65536xf32, #tpu.memory_space<vmem>>, vector<16xf32>,
      %parallel_loop3A_20 = arith.constant 0 : i32
      %parallel_loop3A_21 = vector.broadcast %parallel_loop3A_20 : i32 to vector<16xi32>
      %parallel_loop3A_22 = arith.addi %iota3A, %parallel_loop3A_21 : vector<16xi32>
      %parallel_loop3A_23 = arith.constant dense<true> : vector<16xi1>
      %parallel_loop3A_24, %parallel_loop3A_25, %parallel_loop3A_26 = tpu.sort %parallel_loop3A_19, %parallel_loop3A_22 masked %parallel_loop3A_23 {descending = true} : (vector<16xf32>, vector<16xi32>, vector<16xi1>) -> (vector<16xi1>, vector<16xf32>, vector<16xi32>)
      %parallel_loop3A_27 = arith.constant 16 : i32
      %parallel_loop3A_28 = arith.addi %parallel_loop3A_15, %parallel_loop3A_27 : i32
      %parallel_loop3A_29 = arith.index_cast %parallel_loop3A_28 : i32 to index
      %parallel_loop3A_30 = tpu.vector_load %arg5[%parallel_loop3A_29] {strides = array<i32>} : memref<65536xf32, #tpu.memory_space<vmem>>, vector<16xf32>,
      %parallel_loop3A_31 = arith.constant 16 : i32
      %parallel_loop3A_32 = vector.broadcast %parallel_loop3A_31 : i32 to vector<16xi32>
      %parallel_loop3A_33 = arith.addi %iota3A, %parallel_loop3A_32 : vector<16xi32>
      %parallel_loop3A_34 = arith.constant dense<true> : vector<16xi1>
      %parallel_loop3A_35, %parallel_loop3A_36, %parallel_loop3A_37 = tpu.sort %parallel_loop3A_30, %parallel_loop3A_33 masked %parallel_loop3A_34 {descending = true} : (vector<16xf32>, vector<16xi32>, vector<16xi1>) -> (vector<16xi1>, vector<16xf32>, vector<16xi32>)
      %parallel_loop3A_38 = arith.constant 32 : i32
      %parallel_loop3A_39 = arith.addi %parallel_loop3A_15, %parallel_loop3A_38 : i32
      %parallel_loop3A_40 = arith.index_cast %parallel_loop3A_39 : i32 to index
      %parallel_loop3A_41 = tpu.vector_load %arg5[%parallel_loop3A_40] {strides = array<i32>} : memref<65536xf32, #tpu.memory_space<vmem>>, vector<16xf32>,
      %parallel_loop3A_42 = arith.constant 32 : i32
      %parallel_loop3A_43 = vector.broadcast %parallel_loop3A_42 : i32 to vector<16xi32>
      %parallel_loop3A_44 = arith.addi %iota3A, %parallel_loop3A_43 : vector<16xi32>
      %parallel_loop3A_45 = arith.constant dense<true> : vector<16xi1>
      %parallel_loop3A_46, %parallel_loop3A_47, %parallel_loop3A_48 = tpu.sort %parallel_loop3A_41, %parallel_loop3A_44 masked %parallel_loop3A_45 {descending = true} : (vector<16xf32>, vector<16xi32>, vector<16xi1>) -> (vector<16xi1>, vector<16xf32>, vector<16xi32>)
      %parallel_loop3A_49 = arith.constant 48 : i32
      %parallel_loop3A_50 = arith.addi %parallel_loop3A_15, %parallel_loop3A_49 : i32
      %parallel_loop3A_51 = arith.index_cast %parallel_loop3A_50 : i32 to index
      %parallel_loop3A_52 = tpu.vector_load %arg5[%parallel_loop3A_51] {strides = array<i32>} : memref<65536xf32, #tpu.memory_space<vmem>>, vector<16xf32>,
      %parallel_loop3A_53 = arith.constant 48 : i32
      %parallel_loop3A_54 = vector.broadcast %parallel_loop3A_53 : i32 to vector<16xi32>
      %parallel_loop3A_55 = arith.addi %iota3A, %parallel_loop3A_54 : vector<16xi32>
      %parallel_loop3A_56 = arith.constant dense<true> : vector<16xi1>
      %parallel_loop3A_57, %parallel_loop3A_58, %parallel_loop3A_59 = tpu.sort %parallel_loop3A_52, %parallel_loop3A_55 masked %parallel_loop3A_56 {descending = true} : (vector<16xf32>, vector<16xi32>, vector<16xi1>) -> (vector<16xi1>, vector<16xf32>, vector<16xi32>)
      %parallel_loop3A_60 = arith.constant 15 : i32
      %parallel_loop3A_61 = vector.broadcast %parallel_loop3A_60 : i32 to vector<16xi32>
      %parallel_loop3A_62 = tpu.iota {dimensions = array<i32: 0>} : vector<16xi32>
      %parallel_loop3A_63 = arith.subi %parallel_loop3A_61, %parallel_loop3A_62 : vector<16xi32>
      %parallel_loop3A_64 = tpu.dynamic_gather %parallel_loop3A_36[%parallel_loop3A_63] in [0] : vector<16xf32>, vector<16xi32> -> vector<16xf32>
      %parallel_loop3A_65 = arith.select %lt3A_6, %parallel_loop3A_25, %parallel_loop3A_64 : vector<16xi1>, vector<16xf32>
      %parallel_loop3A_66 = arith.constant 15 : i32
      %parallel_loop3A_67 = vector.broadcast %parallel_loop3A_66 : i32 to vector<16xi32>
      %parallel_loop3A_68 = tpu.iota {dimensions = array<i32: 0>} : vector<16xi32>
      %parallel_loop3A_69 = arith.subi %parallel_loop3A_67, %parallel_loop3A_68 : vector<16xi32>
      %parallel_loop3A_70 = tpu.dynamic_gather %parallel_loop3A_37[%parallel_loop3A_69] in [0] : vector<16xi32>, vector<16xi32> -> vector<16xi32>
      %parallel_loop3A_71 = arith.select %lt3A_6, %parallel_loop3A_26, %parallel_loop3A_70 : vector<16xi1>, vector<16xi32>
      %parallel_loop3A_72 = arith.constant dense<true> : vector<16xi1>
      %parallel_loop3A_73, %parallel_loop3A_74, %parallel_loop3A_75 = tpu.sort %parallel_loop3A_65, %parallel_loop3A_71 masked %parallel_loop3A_72 {descending = true} : (vector<16xf32>, vector<16xi32>, vector<16xi1>) -> (vector<16xi1>, vector<16xf32>, vector<16xi32>)
      %parallel_loop3A_76 = arith.constant 15 : i32
      %parallel_loop3A_77 = vector.broadcast %parallel_loop3A_76 : i32 to vector<16xi32>
      %parallel_loop3A_78 = tpu.iota {dimensions = array<i32: 0>} : vector<16xi32>
      %parallel_loop3A_79 = arith.subi %parallel_loop3A_77, %parallel_loop3A_78 : vector<16xi32>
      %parallel_loop3A_80 = tpu.dynamic_gather %parallel_loop3A_58[%parallel_loop3A_79] in [0] : vector<16xf32>, vector<16xi32> -> vector<16xf32>
      %parallel_loop3A_81 = arith.select %lt3A_6, %parallel_loop3A_47, %parallel_loop3A_80 : vector<16xi1>, vector<16xf32>
      %parallel_loop3A_82 = arith.constant 15 : i32
      %parallel_loop3A_83 = vector.broadcast %parallel_loop3A_82 : i32 to vector<16xi32>
      %parallel_loop3A_84 = tpu.iota {dimensions = array<i32: 0>} : vector<16xi32>
      %parallel_loop3A_85 = arith.subi %parallel_loop3A_83, %parallel_loop3A_84 : vector<16xi32>
      %parallel_loop3A_86 = tpu.dynamic_gather %parallel_loop3A_59[%parallel_loop3A_85] in [0] : vector<16xi32>, vector<16xi32> -> vector<16xi32>
      %parallel_loop3A_87 = arith.select %lt3A_6, %parallel_loop3A_48, %parallel_loop3A_86 : vector<16xi1>, vector<16xi32>
      %parallel_loop3A_88 = arith.constant dense<true> : vector<16xi1>
      %parallel_loop3A_89, %parallel_loop3A_90, %parallel_loop3A_91 = tpu.sort %parallel_loop3A_81, %parallel_loop3A_87 masked %parallel_loop3A_88 {descending = true} : (vector<16xf32>, vector<16xi32>, vector<16xi1>) -> (vector<16xi1>, vector<16xf32>, vector<16xi32>)
      %parallel_loop3A_92 = arith.constant 15 : i32
      %parallel_loop3A_93 = vector.broadcast %parallel_loop3A_92 : i32 to vector<16xi32>
      %parallel_loop3A_94 = tpu.iota {dimensions = array<i32: 0>} : vector<16xi32>
      %parallel_loop3A_95 = arith.subi %parallel_loop3A_93, %parallel_loop3A_94 : vector<16xi32>
      %parallel_loop3A_96 = tpu.dynamic_gather %parallel_loop3A_90[%parallel_loop3A_95] in [0] : vector<16xf32>, vector<16xi32> -> vector<16xf32>
      %parallel_loop3A_97 = arith.select %lt3A_6, %parallel_loop3A_74, %parallel_loop3A_96 : vector<16xi1>, vector<16xf32>
      %parallel_loop3A_98 = arith.constant 15 : i32
      %parallel_loop3A_99 = vector.broadcast %parallel_loop3A_98 : i32 to vector<16xi32>
      %parallel_loop3A_100 = tpu.iota {dimensions = array<i32: 0>} : vector<16xi32>
      %parallel_loop3A_101 = arith.subi %parallel_loop3A_99, %parallel_loop3A_100 : vector<16xi32>
      %parallel_loop3A_102 = tpu.dynamic_gather %parallel_loop3A_91[%parallel_loop3A_101] in [0] : vector<16xi32>, vector<16xi32> -> vector<16xi32>
      %parallel_loop3A_103 = arith.select %lt3A_6, %parallel_loop3A_75, %parallel_loop3A_102 : vector<16xi1>, vector<16xi32>
      %parallel_loop3A_104 = arith.constant dense<true> : vector<16xi1>
      %parallel_loop3A_105, %parallel_loop3A_106, %parallel_loop3A_107 = tpu.sort %parallel_loop3A_97, %parallel_loop3A_103 masked %parallel_loop3A_104 {descending = true} : (vector<16xf32>, vector<16xi32>, vector<16xi1>) -> (vector<16xi1>, vector<16xf32>, vector<16xi32>)
      %parallel_loop3A_108 = arith.constant true
      %parallel_loop3A_109 = vector.broadcast %parallel_loop3A_108 : i1 to vector<16xi1>
      %parallel_loop3A_110 = tpu.scan <max>, %parallel_loop3A_106 masked %parallel_loop3A_109 : vector<16xf32>, vector<16xi1> -> vector<16xf32>
      %parallel_loop3A_111 = vector.extract %parallel_loop3A_110[15] : f32 from vector<16xf32>
      %parallel_loop3A_112 = vector.broadcast %parallel_loop3A_111 : f32 to vector<16xf32>
      %parallel_loop3A_113 = arith.subf %parallel_loop3A_106, %parallel_loop3A_112 : vector<16xf32>
      %parallel_loop3A_114 = math.exp %parallel_loop3A_113 : vector<16xf32>
      %parallel_loop3A_115 = arith.constant 0.000000e+00 : f32
      %parallel_loop3A_116 = vector.broadcast %parallel_loop3A_115 : f32 to vector<16xf32>
      %parallel_loop3A_117 = arith.select %lt3A_6, %parallel_loop3A_114, %parallel_loop3A_116 : vector<16xi1>, vector<16xf32>
      %parallel_loop3A_118 = arith.constant true
      %parallel_loop3A_119 = vector.broadcast %parallel_loop3A_118 : i1 to vector<16xi1>
      %parallel_loop3A_120 = tpu.scan <sum>, %parallel_loop3A_117 masked %parallel_loop3A_119 : vector<16xf32>, vector<16xi1> -> vector<16xf32>
      %parallel_loop3A_121 = vector.extract %parallel_loop3A_120[15] : f32 from vector<16xf32>
      %parallel_loop3A_122 = vector.broadcast %parallel_loop3A_121 : f32 to vector<16xf32>
      %parallel_loop3A_123 = arith.divf %parallel_loop3A_117, %parallel_loop3A_122 : vector<16xf32>
      %parallel_loop3A_124 = arith.constant 8 : i32
      %parallel_loop3A_125 = arith.muli %parallel_loop3A_13, %parallel_loop3A_124 : i32
      %parallel_loop3A_126 = arith.index_cast %parallel_loop3A_125 : i32 to index
      %parallel_loop3A_127 = tpu.vector_load %arg6[%parallel_loop3A_126] masked %lt3A_6 {strides = array<i32>} : memref<8208xf32, #tpu.memory_space<vmem>>, vector<16xf32>, vector<16xi1>
      tpu.vector_store %arg6[%parallel_loop3A_126], %parallel_loop3A_123 masked %lt3A_6 {strides = array<i32>} : memref<8208xf32, #tpu.memory_space<vmem>>, vector<16xf32>, vector<16xi1>
      %parallel_loop3A_128 = arith.constant 8 : i32
      %parallel_loop3A_129 = arith.muli %parallel_loop3A_13, %parallel_loop3A_128 : i32
      %parallel_loop3A_130 = arith.index_cast %parallel_loop3A_129 : i32 to index
      %parallel_loop3A_131 = tpu.vector_load %arg7[%parallel_loop3A_130] masked %lt3A_6 {strides = array<i32>} : memref<8208xi32, #tpu.memory_space<vmem>>, vector<16xi32>, vector<16xi1>
      tpu.vector_store %arg7[%parallel_loop3A_130], %parallel_loop3A_107 masked %lt3A_6 {strides = array<i32>} : memref<8208xi32, #tpu.memory_space<vmem>>, vector<16xi32>, vector<16xi1>
    } {sc.loop_unroll_factor = 4 : i64, sc.parallel_access}
    %mul3A_9 = arith.constant 8 : i32
    %mul3A_10 = arith.muli %mul3A_2, %mul3A_9 : i32
    "tpu.region"() ({
      %run_scoped3A = tpu.sem_alloc : memref<!tpu.dma_semaphore, #tpu.memory_space<semaphore_mem>>
      %dma_start3A = arith.constant 0 : i32
      %dma_start3A_13 = tpu.memref_slice %arg6[%dma_start3A] : memref<8208xf32, #tpu.memory_space<vmem>> -> memref<8192xf32, #tpu.memory_space<vmem>>
      %dma_start3A_14 = tpu.memref_slice %arg3[%mul3A_10] : memref<262144xf32, #tpu.memory_space<hbm>> -> memref<8192xf32, #tpu.memory_space<hbm>>
      %dma_start3A_15 = tpu.memref_slice %arg3[%mul3A_10] : memref<262144xf32, #tpu.memory_space<hbm>> -> memref<8192xf32, #tpu.memory_space<hbm>>
      %dma_start3A_16 = arith.constant 0 : i32
      %dma_start3A_17 = tpu.memref_slice %arg6[%dma_start3A_16] : memref<8208xf32, #tpu.memory_space<vmem>> -> memref<8192xf32, #tpu.memory_space<vmem>>
      tpu.enqueue_dma source(%dma_start3A_17 : memref<8192xf32, #tpu.memory_space<vmem>>) target(%dma_start3A_15 : memref<8192xf32, #tpu.memory_space<hbm>>) target_semaphore(%run_scoped3A : memref<!tpu.dma_semaphore, #tpu.memory_space<semaphore_mem>>)
      %dma_wait3A = arith.constant 0 : i32
      %dma_wait3A_18 = tpu.memref_slice %arg6[%dma_wait3A] : memref<8208xf32, #tpu.memory_space<vmem>> -> memref<8192xf32, #tpu.memory_space<vmem>>
      %dma_wait3A_19 = tpu.memref_slice %arg3[%mul3A_10] : memref<262144xf32, #tpu.memory_space<hbm>> -> memref<8192xf32, #tpu.memory_space<hbm>>
      %dma_wait3A_20 = tpu.memref_slice %arg3[%mul3A_10] : memref<262144xf32, #tpu.memory_space<hbm>> -> memref<8192xf32, #tpu.memory_space<hbm>>
      %dma_wait3A_21 = arith.constant 0 : i32
      %dma_wait3A_22 = tpu.memref_slice %arg6[%dma_wait3A_21] : memref<8208xf32, #tpu.memory_space<vmem>> -> memref<8192xf32, #tpu.memory_space<vmem>>
      tpu.wait_dma2 semaphore(%run_scoped3A : memref<!tpu.dma_semaphore, #tpu.memory_space<semaphore_mem>>) src(%dma_wait3A_22 : memref<8192xf32, #tpu.memory_space<vmem>>) dst(%dma_wait3A_20 : memref<8192xf32, #tpu.memory_space<hbm>>)
      tpu.yield
    }) : () -> ()
    %mul3A_11 = arith.constant 8 : i32
    %mul3A_12 = arith.muli %mul3A_2, %mul3A_11 : i32
    "tpu.region"() ({
      %run_scoped3A = tpu.sem_alloc : memref<!tpu.dma_semaphore, #tpu.memory_space<semaphore_mem>>
      %dma_start3A = arith.constant 0 : i32
      %dma_start3A_13 = tpu.memref_slice %arg7[%dma_start3A] : memref<8208xi32, #tpu.memory_space<vmem>> -> memref<8192xi32, #tpu.memory_space<vmem>>
      %dma_start3A_14 = tpu.memref_slice %arg4[%mul3A_12] : memref<262144xi32, #tpu.memory_space<hbm>> -> memref<8192xi32, #tpu.memory_space<hbm>>
      %dma_start3A_15 = tpu.memref_slice %arg4[%mul3A_12] : memref<262144xi32, #tpu.memory_space<hbm>> -> memref<8192xi32, #tpu.memory_space<hbm>>
      %dma_start3A_16 = arith.constant 0 : i32
      %dma_start3A_17 = tpu.memref_slice %arg7[%dma_start3A_16] : memref<8208xi32, #tpu.memory_space<vmem>> -> memref<8192xi32, #tpu.memory_space<vmem>>
      tpu.enqueue_dma source(%dma_start3A_17 : memref<8192xi32, #tpu.memory_space<vmem>>) target(%dma_start3A_15 : memref<8192xi32, #tpu.memory_space<hbm>>) target_semaphore(%run_scoped3A : memref<!tpu.dma_semaphore, #tpu.memory_space<semaphore_mem>>)
      %dma_wait3A = arith.constant 0 : i32
      %dma_wait3A_18 = tpu.memref_slice %arg7[%dma_wait3A] : memref<8208xi32, #tpu.memory_space<vmem>> -> memref<8192xi32, #tpu.memory_space<vmem>>
      %dma_wait3A_19 = tpu.memref_slice %arg4[%mul3A_12] : memref<262144xi32, #tpu.memory_space<hbm>> -> memref<8192xi32, #tpu.memory_space<hbm>>
      %dma_wait3A_20 = tpu.memref_slice %arg4[%mul3A_12] : memref<262144xi32, #tpu.memory_space<hbm>> -> memref<8192xi32, #tpu.memory_space<hbm>>
      %dma_wait3A_21 = arith.constant 0 : i32
      %dma_wait3A_22 = tpu.memref_slice %arg7[%dma_wait3A_21] : memref<8208xi32, #tpu.memory_space<vmem>> -> memref<8192xi32, #tpu.memory_space<vmem>>
      tpu.wait_dma2 semaphore(%run_scoped3A : memref<!tpu.dma_semaphore, #tpu.memory_space<semaphore_mem>>) src(%dma_wait3A_22 : memref<8192xi32, #tpu.memory_space<vmem>>) dst(%dma_wait3A_20 : memref<8192xi32, #tpu.memory_space<hbm>>)
      tpu.yield
    }) : () -> ()
    return
  }
}

module attributes {stable_mosaic.version = 14 : i64} {
  func.func @_logits_block(%arg0: i32, %arg1: memref<512x4096xf32, #tpu.memory_space<vmem>>, %arg2: memref<4096x64xf32, #tpu.memory_space<vmem>>, %arg3: memref<1x64xf32, #tpu.memory_space<vmem>>, %arg4: memref<512x64xf32, #tpu.memory_space<vmem>>) attributes {dimension_semantics = [#tpu.dimension_semantics<arbitrary>], iteration_bounds = array<i64: 64>, scalar_prefetch = 0 : i64, scratch_operands = 0 : i64, tpu.core_type = #tpu.core_type<tc>, window_params = [{transform_indices = @transform_0, window_bounds = array<i64: 512, 4096>}, {pipeline_mode = #tpu.pipeline_mode<synchronous>, transform_indices = @transform_1, window_bounds = array<i64: 4096, 64>}, {pipeline_mode = #tpu.pipeline_mode<synchronous>, transform_indices = @transform_2, window_bounds = array<i64: 1, 64>}, {transform_indices = @transform_3, window_bounds = array<i64: 512, 64>}]} {
    %get3A = arith.constant 0 : index
    %get3A_0 = arith.constant 0 : index
    %get3A_1 = vector.load %arg1[%get3A, %get3A_0] : memref<512x4096xf32, #tpu.memory_space<vmem>>, vector<512x4096xf32>
    %get3A_2 = arith.constant 0 : index
    %get3A_3 = arith.constant 0 : index
    %get3A_4 = vector.load %arg2[%get3A_2, %get3A_3] : memref<4096x64xf32, #tpu.memory_space<vmem>>, vector<4096x64xf32>
    %dot_general3A = arith.constant dense<0.000000e+00> : vector<512x64xf32>
    %dot_general3A_5 = tpu.matmul %get3A_1, %get3A_4, %dot_general3A {dimension_numbers = #tpu.dot_dimension_numbers<[1], [0], [0], [1], [0, 0, 1, 1], [], []>, transpose_lhs_hint = false} : vector<512x4096xf32>, vector<4096x64xf32>, vector<512x64xf32> -> vector<512x64xf32>
    %get3A_6 = arith.constant 0 : index
    %get3A_7 = arith.constant 0 : index
    %get3A_8 = vector.load %arg3[%get3A_6, %get3A_7] : memref<1x64xf32, #tpu.memory_space<vmem>>, vector<1x64xf32>
    %add3A = vector.broadcast %get3A_8 : vector<1x64xf32> to vector<512x64xf32>
    %add3A_9 = arith.addf %dot_general3A_5, %add3A : vector<512x64xf32>
    %swap3A = arith.constant 0 : index
    %swap3A_10 = arith.constant 0 : index
    %swap3A_11 = vector.load %arg4[%swap3A, %swap3A_10] : memref<512x64xf32, #tpu.memory_space<vmem>>, vector<512x64xf32>
    tpu.vector_store %arg4[%swap3A, %swap3A_10], %add3A_9 {strides = array<i32>} : memref<512x64xf32, #tpu.memory_space<vmem>>, vector<512x64xf32>,
    return
  }
  func.func @transform_0(%arg0: i32) -> (i32, i32) {
    %c0_i32 = arith.constant 0 : i32
    %c0_i32_0 = arith.constant 0 : i32
    return %arg0, %c0_i32 : i32, i32
  }
  func.func @transform_1(%arg0: i32) -> (i32, i32) {
    %c0_i32 = arith.constant 0 : i32
    %c0_i32_0 = arith.constant 0 : i32
    %c0_i32_1 = arith.constant 0 : i32
    return %c0_i32, %c0_i32_0 : i32, i32
  }
  func.func @transform_2(%arg0: i32) -> (i32, i32) {
    %c0_i32 = arith.constant 0 : i32
    %c0_i32_0 = arith.constant 0 : i32
    %c0_i32_1 = arith.constant 0 : i32
    return %c0_i32, %c0_i32_0 : i32, i32
  }
  func.func @transform_3(%arg0: i32) -> (i32, i32) {
    %c0_i32 = arith.constant 0 : i32
    %c0_i32_0 = arith.constant 0 : i32
    return %arg0, %c0_i32 : i32, i32
  }
}

</mosaic_0001>

<sc_bundles>
// kernel: kernel.4.cloned.1.call-start
scs
__scs_entry_jumppad:
0x0: {  	(pc) =	sbr.rel $0x88, $3  }
0x1: {  	(tag) =	ssettag $0x0;
	lr =	simm.s32 $0x1  }
0x2: {  	[smem:$0x3F9E] =	sst lr;
	_ =	strace $0xD0000000  }
0x3: {  	_ = 	snop  }
0x4: {  	_ = 	snop  }
0x5: {  	_ = 	snop  }
0x6: {  	_ = 	snop  }
0x7: {  	_ = 	snop  }
__scs_overlays_trampoline_lowered:
0x8: {  	[smem:$0x3FAD] =	sst s0  }
0x9: {  	[smem:$0x3FAE] =	sst s1  }
0xa: {  	[smem:$0x3FAF] =	sst s2  }
0xb: {  	[smem:$0x3FB0] =	sst s3  }
0xc: {  	[smem:$0x3FB1] =	sst s4  }
0xd: {  	[smem:$0x3FB2] =	sst s5  }
0xe: {  	[smem:$0x3FB3] =	sst s6  }
0xf: {  	[smem:$0x3FB4] =	sst s7  }
0x10: {  	[smem:$0x3FB5] =	sst s8  }
0x11: {  	[smem:$0x3FB6] =	sst s9;
	s0 =	simm.s32 @!p0 $0x0  }
0x12: {  	s1 =	sld [smem:$0x3F9C];
	s0 =	simm.s32 @p0 $0x1  }
0x13: {  	[smem:$0x3FB7] =	sst s0;
	s0 =	simm.s32 @!p1 $0x0  }
0x14: {  	s2 =	sld [smem:$0x3F9B];
	s0 =	simm.s32 @p1 $0x1  }
0x15: {  	[smem:$0x3FB8] =	sst s0;
	s0 =	simm.s32 @!p2 $0x0  }
0x16: {  	s3 =	sld [smem:$0x3FDB];
	s0 =	simm.s32 @p2 $0x1  }
0x17: {  	s4 =	simm.s32 $0x1BF5;
	[smem:$0x3FBA] =	sst s0  }
0x18: {  	s0 =	sld [smem:$0x3F9D];
	_ =	swait.ge [sflag:s4], $0x0  }
0x19: {  	s7 =	sld [smem:$0x3F9E]  }
0x1a: {  	s8 =	sadd.s32 $0xFFFFE003, lr  }
0x1b: {  	s9 =	sadd.s32 $0xFFFFFEF7, lr;
	s5 =	simm.s32 $0xFFFFFFFF;
	p2 =	slt.u32 s8, $0xFFFFF086  }
0x1c: {  	p1 =	slt.u32 s9, $0xF7A;
	s5 =	simm.s32 @!p2 $0x0  }
0x1d: {  	s5 =	simm.s32 @p1 $0x1;
	p0 =	seq.s32 s7, s2  }
0x1e: {  	s7 =	smul.u32 @!p0 $0xF7A, s2;
	p2 =	seq.s32 @!p0 s5, $0x0  }
0x1f: {  	s9 =	smul.u32 $0xF7A, s1;
	s8 =	simm.s32 @!p0 $0x1BF5;
	p2 =	por !p2, p0  }
0x20: {  	[sflag:s8] =	ssyncset.s32 @!p0 $0xFFFFF086;
	s6 =	sadd.s32 @!p0 s3, s7;
	s7 =	simm.s32 @!p0 $0x108  }
0x21: {  	s3 =	sadd.s32 s3, s9;
	s6 =	sadd.s32 @!p0 $0x88, s6;
	s7 =	simm.s32 @p2 $0x1082  }
0x22: {  	[simem:s7], [sflag:s8] =	dma.local @!p0 [hbm:s6], $0xF7A  }
0x23: {  	s9 =	sor.u32 $0xD0000000, s2;
	s6 =	simm.s32 $0x108;
	_ =	swait.ge @!p0 [sflag:s8], $0x0  }
0x24: {  	s3 =	sadd.s32 $0x88, s3;
	s6 =	simm.s32 @!p1 $0x1082;
	[sflag:s4] =	ssyncset.s32 $0xFFFFF086  }
0x25: {  	[simem:s6], [sflag:s4] =	dma.local [hbm:s3], $0xF7A  }
0x26: {  	[smem:$0x3F9E] =	sst s1;
	(tag) =	ssettag s2;
	_ =	strace s9  }
0x27: {  	s1 =	sld [smem:$0x3FAE]  }
0x28: {  	s2 =	sld [smem:$0x3FAF]  }
0x29: {  	s4 =	sld [smem:$0x3FB1]  }
0x2a: {  	p0 =	seq.s32 s5, $0x0;
	s5 =	sld [smem:$0x3FB2]  }
0x2b: {  	s6 =	sld [smem:$0x3FB3]  }
0x2c: {  	s7 =	sld [smem:$0x3FB4]  }
0x2d: {  	s3 =	simm.s32 $0x108;
	s8 =	sld [smem:$0x3FB5]  }
0x2e: {  	s3 =	simm.s32 @!p0 $0x1082;
	s9 =	sld [smem:$0x3FB6]  }
0x2f: {  	lr =	sadd.s32 s0, s3;
	s0 =	sld [smem:$0x3FAD]  }
0x30: {  	s3 =	sld [smem:$0x3FB0]  }
0x31: {  	[smem:$0x3FB9] =	sst s10  }
0x32: {  	s10 =	sld [smem:$0x3FB7];
	_ =	sdelay $0x3  }
0x33: {  	p0 =	seq.s32 s10, $0x1;
	s10 =	sld [smem:$0x3FB9];
	_ =	sdelay $0x3  }
0x34: {  	[smem:$0x3FB9] =	sst s10  }
0x35: {  	s10 =	sld [smem:$0x3FB8];
	_ =	sdelay $0x3  }
0x36: {  	p1 =	seq.s32 s10, $0x1;
	s10 =	sld [smem:$0x3FB9];
	_ =	sdelay $0x3  }
0x37: {  	[smem:$0x3FB9] =	sst s10  }
0x38: {  	s10 =	sld [smem:$0x3FBA]  }
0x39: {  	_ = 	snop;
	(pc) =	sbr.ind lr, $3  }
0x3a: {  	_ = 	snop  }
0x3b: {  	_ = 	snop  }
0x3c: {  	p2 =	seq.s32 s10, $0x1;
	s10 =	sld [smem:$0x3FB9]  }
0x3d: {  	_ =	shalt  }
0x3e: {  	_ =	shalt  }
0x3f: {  	_ =	shalt  }
0x40: {  	_ =	shalt  }
0x41: {  	_ =	shalt  }
0x42: {  	_ =	shalt  }
0x43: {  	_ =	shalt  }
0x44: {  	_ =	shalt  }
0x45: {  	_ =	shalt  }
0x46: {  	_ =	shalt  }
0x47: {  	_ =	shalt  }
0x48: {  	_ =	shalt  }
0x49: {  	_ =	shalt  }
0x4a: {  	_ =	shalt  }
0x4b: {  	_ =	shalt  }
0x4c: {  	_ =	shalt  }
0x4d: {  	_ =	shalt  }
0x4e: {  	_ =	shalt  }
0x4f: {  	_ =	shalt  }
0x50: {  	_ =	shalt  }
0x51: {  	_ =	shalt  }
0x52: {  	_ =	shalt  }
0x53: {  	_ =	shalt  }
0x54: {  	_ =	shalt  }
0x55: {  	_ =	shalt  }
0x56: {  	_ =	shalt  }
0x57: {  	_ =	shalt  }
0x58: {  	_ =	shalt  }
0x59: {  	_ =	shalt  }
0x5a: {  	_ =	shalt  }
0x5b: {  	_ =	shalt  }
0x5c: {  	_ =	shalt  }
0x5d: {  	_ =	shalt  }
0x5e: {  	_ =	shalt  }
0x5f: {  	_ =	shalt  }
0x60: {  	_ =	shalt  }
0x61: {  	_ =	shalt  }
0x62: {  	_ =	shalt  }
0x63: {  	_ =	shalt  }
0x64: {  	_ =	shalt  }
0x65: {  	_ =	shalt  }
0x66: {  	_ =	shalt  }
0x67: {  	_ =	shalt  }
0x68: {  	_ =	shalt  }
0x69: {  	_ =	shalt  }
0x6a: {  	_ =	shalt  }
0x6b: {  	_ =	shalt  }
0x6c: {  	_ =	shalt  }
0x6d: {  	_ =	shalt  }
0x6e: {  	_ =	shalt  }
0x6f: {  	_ =	shalt  }
0x70: {  	_ =	shalt  }
0x71: {  	_ =	shalt  }
0x72: {  	_ =	shalt  }
0x73: {  	_ =	shalt  }
0x74: {  	_ =	shalt  }
0x75: {  	_ =	shalt  }
0x76: {  	_ =	shalt  }
0x77: {  	_ =	shalt  }
0x78: {  	_ =	shalt  }
0x79: {  	_ =	shalt  }
0x7a: {  	_ =	shalt  }
0x7b: {  	_ =	shalt  }
0x7c: {  	_ =	shalt  }
0x7d: {  	_ =	shalt  }
0x7e: {  	_ =	shalt  }
0x7f: {  	_ =	shalt  }
0x80: {  	_ =	shalt  }
0x81: {  	_ =	shalt  }
0x82: {  	_ =	shalt  }
0x83: {  	_ =	shalt  }
0x84: {  	_ =	shalt  }
0x85: {  	_ =	shalt  }
0x86: {  	_ =	shalt  }
0x87: {  	_ =	shalt  }
.Lfunc_end0:
.L_simem_size_0:
called_computation_lowered:
.L_overlay_start_0:
0x88: {  	s2 =	sld [smem:$0x3FD9]  }
0x89: {  	s3 =	sld [smem:$0x3FFE];
	_ =	sdelay $0x1  }
0x8a: {  	s1 =	srdreg.scid  }
0x8b: {  	s0 =	sand.u32 $0x1, s1  }
0x8c: {  	s14 =	sshll.u32 s0, $0xA;
	s2 =	sadd.s32 s3, s2  }
0x8d: {  	s2 =	sadd.s32 s2, s14  }
0x8e: {  	[smem:$0x3FC5] =	sst s2  }
0x8f: {  	_ = 	snop  }
0x90: {  	s2 =	sld [smem:$0x3FD0];
	_ =	sdelay $0x2  }
0x91: {  	s15 =	simm.s32 $0xA;
	s4 =	simm.s32 $0x10  }
0x92: {  	[smem:s4], [sflag:s15] =	dma.local [hbm:s2], $0x1  }
0x93: {  	_ =	swait.eq [sflag:s15], $0x1  }
0x94: {  	[sflag:s15] =	ssyncset.done $0x0  }
0x95: {  	[sflag:s15] =	ssyncadd.s32 $0xFFFFFFFF  }
0x96: {  	s16 =	sld [smem:$0x11];
	(tm) =	ssettm $0x1  }
0x97: {  	s17 =	sld [smem:$0x3FFB];
	_ =	sdelay $0x3  }
0x98: {  	_ =	strace s17  }
0x99: {  	s3 =	sld [smem:$0x3FFC];
	_ =	sdelay $0x3  }
0x9a: {  	_ =	strace s3  }
0x9b: {  	s3 =	sld [smem:$0x3FFD];
	_ =	sdelay $0x3  }
0x9c: {  	_ =	strace s3  }
0x9d: {  	_ =	strace $0x8FFFFFFF  }
0x9e: {  	s18 =	sld [smem:$0x3FDB];
	_ =	sdelay $0x1  }
0x9f: {  	s19 =	simm.s32 $_scs_section_size  }
0xa0: {  	s5 =	simm.s32 $_size__tile_overlayer_lowered;
	s6 =	simm.s32 $_tile_overlayer_lowered  }
0xa1: {  	s22 =	simm.s32 $0x1BFF;
	s21 =	sshll.u32 s6, $0x1;
	s3 =	sadd.s32 s19, s18  }
0xa2: {  	s7 =	simm.s32 $0x0;
	s20 =	sshll.u32 s5, $0x1;
	s5 =	sadd.s32 s21, s3  }
0xa3: {  	[timem:s7], [sflag:s22] =	dma.local [hbm:s5], s20  }
0xa4: {  	_ =	swait.ge [sflag:s22], s20  }
0xa5: {  	s4 =	ssub.s32 $0x0, s20;
	[sflag:s22] =	ssyncset.done $0x0  }
0xa6: {  	[sflag:s22] =	ssyncadd.s32 s4;
	_ =	sdelay $0x1  }
0xa7: {  	s23 =	simm.s32 $0x1B8B  }
0xa8: {  	_ =	swait.ge [sflag:s23], $0x1  }
0xa9: {  	[sflag:s23] =	ssyncset.done $0x0  }
0xaa: {  	s25 =	simm.s32 $0x1B8E;
	s24 =	sld [smem:$0x3FFE];
	[sflag:s23] =	ssyncadd.s32 $0xFFFFFFFF  }
0xab: {  	s26 =	simm.s32 $execute0_lowered;
	[smem:$0x3FD2] =	sst s25  }
0xac: {  	s5 =	sshll.u32 s26, $0x1;
	_ =	strace $0x80000046;
	[dreg:$0x1] =	wrdreg $0xFFFFFFFF  }
0xad: {  	s28 =	simm.s32 $_size_execute0_lowered;
	s3 =	sadd.s32 s3, s5;
	[dreg:$0x0] =	wrdreg $0x0  }
0xae: {  	s5 =	sshll.u32 s28, $0x1;
	[dreg:$0x2] =	wrdreg s3  }
0xaf: {  	[dreg:$0x3] =	wrdreg s5  }
0xb0: {  	[dreg:$0x4] =	wrdreg $0xC0  }
0xb1: {  	_ =	task [dreg:s7], $0x5FFFF  }
0xb2: {  	[dreg:$0x1] =	wrdreg $0xFFFFFFFF  }
0xb3: {  	[dreg:$0x0] =	wrdreg $0x60  }
0xb4: {  	[dreg:$0x2] =	wrdreg s24  }
0xb5: {  	[dreg:$0x3] =	wrdreg s16  }
0xb6: {  	[dreg:$0x4] =	wrdreg $0x9  }
0xb7: {  	_ =	task.clear_ibuf [dreg:s7], $0x5FFFF;
	_ =	strace $0x90000046  }
0xb8: {  	s29 =	simm.s32 $0x9;
	_ =	strace $0x80000048  }
0xb9: {  	_ =	swait.ge [sflag:s29], $0x1  }
0xba: {  	[sflag:s29] =	ssyncadd.s32 $0xFFFFFFFF  }
0xbb: {  	_ =	strace $0x90000048  }
0xbc: {  	_ =	sfence  }
0xbd: {  	s30 =	sld [smem:$0x0];
	_ =	sdelay $0x2  }
0xbe: {  	s31 =	sshll.u32 s1, $0xD;
	s1 =	sshrl.u32 s1, $0x2  }
0xbf: {  	s3 =	sand.u32 $0x4000, s31;
	s1 =	sadd.s32 s1, s30  }
0xc0: {  	s0 =	sor.u32 s3, s0;
	s1 =	sshll.u32 s1, $0x11  }
0xc1: {  	s0 =	sor.u32 s1, s0  }
0xc2: {  	s0 =	sadd.s32 $0x8F2B, s0  }
0xc3: {  	[sflag:s0] =	ssyncadd.remote.s32 $0x1  }
0xc4: {  	_ =	sfence.sel $0xFFFF  }
0xc5: {  	[dreg:$0x0] =	wrdreg $0xFFFFFFFF;
	(pc) =	sbr.abs _section_cstart, $3  }
0xc6: {  	[dreg:$0x1] =	wrdreg $0xFFFFFFFF  }
0xc7: {  	_ =	task.clear_ibuf [dreg:s7], $0x2FFFF;
	_ =	strace $0x9FFFFFFF  }
0xc8: {  	(tm) =	ssettm $0x7FFFFFFF  }
0xc9: {  	_ =	shalt  }
tec
execute0_lowered:
.L_overlay_start_1:
0x0: {  	(tag) =	ssettag $0x1  }
0x1: {  	s0 =	rddreg [dreg:$0x0]  }
0x2: {  	s8 =	simm.s32 $0x0;
	s3 =	srdreg.scid;
	s2 =	stileid.u32  }
0x3: {  	[smem:$0x7FF] =	sst s8;
	s3 =	sand.u32 $0x1, s3;
	s4 =	sshll.u32 s2, $0x1  }
0x4: {  	s1 =	rddreg [dreg:$0x1];
	_ =	strace $0x80000047;
	s4 =	sor.u32 s3, s4  }
0x5: {  	s3 =	ssub.s32 $0x2, s3;
	s5 =	sshll.u32 s4, $0xD;
	s4 =	sshll.u32 s4, $0xA  }
0x6: {  	s6 =	sshrl.u32 s3, $0x1;
	s5 =	sadd.s32 s5, s0;
	s1 =	sadd.s32 s1, s4  }
0x7: {  	v0 =	vlaneseq.u32;
	s0 =	sadd.s32 s4, s0;
	s30 =	sadd.s32 $0xC00, s5;
	[dreg:$0x4] =	wrdreg s1  }
0x8: {  	v4 =	vmul.u32 $0xFFFFFFFF, v0;
	s3 =	ssub.s32 s3, s6;
	s0 =	sadd.s32 $0x40C00, s0;
	[dreg:$0x3] =	wrdreg s30  }
0x9: {  	vm0 =	vmmov $0xff;
	v1 =	vor.u32 $0x10, v0;
	s31 =	smax.u32 s3, $0x1;
	[dreg:$0x5] =	wrdreg s0  }
0xa: {  	s7 =	simm.s32 $0x1;
	s10 =	simm.s32 $0x0;
	v2 =	vor.u32 $0x20, v0;
	v3 =	vor.u32 $0x30, v0;
	v4 =	vadd.s32 $0xF, v4;
	[dreg:$0x6] =	wrdreg s31  }
.LBB2_1:
0xb: {  	s0 =	rddreg [dreg:$0x3]  }
0xc: {  	[tilespmem:s8], [sflag:$0x1] =	stream.linear.gather [hbm4b:s0+s8], $0x10000, $0x38;
	[tilespmem:$0x14100] =	vst v63  }
0xd: {  	_ =	swait.ge [sflag:s7], $0x10000  }
0xe: {  	[sflag:s7] =	ssyncset.done $0x0  }
0xf: {  	s0 =	simm.s32 $0x80;
	[sflag:s7] =	ssyncadd.s32 $0xFFFF0000  }
0x10: {  	v5 =	vld [tilespmem:s0+$0xFFFFFF80]  }
0x11: {  	v6 =	vld [tilespmem:s0+$0xFFFFFF90];
	_ =	sdelay $0x3  }
0x12: {  	v7 =	vld [tilespmem:s0+$0xFFFFFFB0];
	(xrf1) =	vsort.dscd.msk.f32 $0xffff, v5, v0  }
0x13: {  	(xrf1) =	vsort.dscd.msk.f32 $0xffff, v6, v1  }
0x14: {  	v8 =	vld [tilespmem:s0+$0xFFFFFFA0];
	_ =	sdelay $0x2  }
0x15: {  	(xrf1) =	vsort.dscd.msk.f32 $0xffff, v7, v3;
	_ =	sdelay $0x1  }
0x16: {  	(xrf1) =	vsort.dscd.msk.f32 $0xffff, v8, v2;
	_ =	sdelay $0x6  }
0x17: {  	v5, v6, _ =	vpop (xrf1)  }
0x18: {  	v7, v8, _ =	vpop (xrf1)  }
0x19: {  	v8 =	vperm.xlane v8, v4  }
0x1a: {  	v7 =	vperm.xlane v7, v4;
	_ =	sdelay $0x1  }
0x1b: {  	v9, v10, _ =	vpop (xrf1)  }
0x1c: {  	v9 =	vperm.xlane v9, v4;
	v10 =	vperm.xlane v10, v4  }
0x1d: {  	v5 =	vsel vm0, v5, v7;
	v6 =	vsel vm0, v6, v8;
	v7, v8, _ =	vpop (xrf1)  }
0x1e: {  	(xrf1) =	vsort.dscd.msk.f32 $0xffff, v5, v6;
	v7 =	vsel vm0, v7, v9;
	v8 =	vsel vm0, v8, v10  }
0x1f: {  	(xrf1) =	vsort.dscd.msk.f32 $0xffff, v7, v8;
	_ =	sdelay $0xa  }
0x20: {  	s28 =	simm.s32 $0x180  }
0x21: {  	v5 =	vld [tilespmem:s28+$0xFFFFFF80]  }
0x22: {  	v6, v7, _ =	vpop (xrf1)  }
0x23: {  	v8, v9, _ =	vpop (xrf1)  }
0x24: {  	v8 =	vperm.xlane v8, v4;
	v9 =	vperm.xlane v9, v4;
	_ =	sdelay $0x1  }
0x25: {  	(xrf1) =	vsort.dscd.msk.f32 $0xffff, v5, v0;
	v5 =	vsel vm0, v6, v8;
	v6 =	vsel vm0, v7, v9  }
0x26: {  	(xrf1) =	vsort.dscd.msk.f32 $0xffff, v5, v6;
	_ =	sdelay $0x6  }
0x27: {  	v5 =	vld [tilespmem:s28+$0xFFFFFF90];
	_ =	sdelay $0x1  }
0x28: {  	v6 =	vld [tilespmem:s28+$0xFFFFFFB0];
	_ =	sdelay $0x2  }
0x29: {  	(xrf1) =	vsort.dscd.msk.f32 $0xffff, v5, v1  }
0x2a: {  	v7 =	vld [tilespmem:s28+$0xFFFFFFA0];
	v5, v8, _ =	vpop (xrf1)  }
0x2b: {  	(xrf1) =	vsort.dscd.msk.f32 $0xffff, v6, v3;
	v6, v9, _ =	vpop (xrf1)  }
0x2c: {  	(xrf0) =	vmax.scan.msk.f32 $0xffff, v6;
	_ =	sdelay $0x2  }
0x2d: {  	(xrf1) =	vsort.dscd.msk.f32 $0xffff, v7, v2;
	_ =	sdelay $0x2  }
0x2e: {  	v7, _, _ =	vpop (xrf0)  }
0x2f: {  	v7 =	vbroadcast v7, $0xF;
	_ =	sdelay $0x2  }
0x30: {  	v6 =	vsub.f32 v6, v7  }
0x31: {  	v7, v10, _ =	vpop (xrf1)  }
0x32: {  	v6 =	vmul.f32 $1.442695020e+00, v6;
	v10 =	vperm.xlane v10, v4;
	_ =	sdelay $0x1  }
0x33: {  	(erf) = vpow2.f32 v6  }
0x34: {  	v7 =	vperm.xlane v7, v4;
	v11, v12, _ =	vpop (xrf1)  }
0x35: {  	v6 =	vperm.xlane v11, v4;
	v11 =	vperm.xlane v12, v4  }
0x36: {  	v5 =	vsel vm0, v5, v7;
	v7 =	vsel vm0, v8, v10;
	v8, v10, _ =	vpop (xrf1)  }
0x37: {  	(xrf1) =	vsort.dscd.msk.f32 $0xffff, v5, v7;
	v6 =	vsel vm0, v8, v6;
	v8 =	vsel vm0, v10, v11  }
0x38: {  	(xrf1) =	vsort.dscd.msk.f32 $0xffff, v6, v8;
	_ =	sdelay $0x3  }
0x39: {  	v5 =	vpop (erf)  }
0x3a: {  	v5 =	vnsel vm0, $0x0, v5  }
0x3b: {  	(xrf2) =	vadd.scan.msk.f32 $0xffff, v5;
	_ =	sdelay $0x3  }
0x3c: {  	s25 =	simm.s32 $0x280  }
0x3d: {  	v6 =	vld [tilespmem:s25+$0xFFFFFF80];
	_ =	sdelay $0x1  }
0x3e: {  	v7, v8, _ =	vpop (xrf1)  }
0x3f: {  	v12 =	vld [tilespmem:s25+$0xFFFFFF90];
	v10, v11, _ =	vpop (xrf1)  }
0x40: {  	v10 =	vperm.xlane v10, v4;
	v11 =	vperm.xlane v11, v4  }
0x41: {  	(xrf1) =	vsort.dscd.msk.f32 $0xffff, v6, v0;
	v6, _, _ =	vpop (xrf2)  }
0x42: {  	v6 =	vbroadcast v6, $0xF;
	v7 =	vsel vm0, v7, v10;
	v8 =	vsel vm0, v8, v11  }
0x43: {  	v13 =	vld [tilespmem:s25+$0xFFFFFFB0];
	(xrf1) =	vsort.dscd.msk.f32 $0xffff, v7, v8  }
0x44: {  	(erf) = vrcp.f32 v6;
	(xrf1) =	vsort.dscd.msk.f32 $0xffff, v12, v1  }
0x45: {  	v10 =	vld [tilespmem:s25+$0xFFFFFFA0];
	_ =	sdelay $0x2  }
0x46: {  	(xrf1) =	vsort.dscd.msk.f32 $0xffff, v13, v3;
	_ =	sdelay $0x1  }
0x47: {  	(xrf1) =	vsort.dscd.msk.f32 $0xffff, v10, v2;
	_ =	sdelay $0x2  }
0x48: {  	v6 =	vpop (erf)  }
0x49: {  	v5 =	vmul.f32 v6, v5;
	_ =	sdelay $0x1  }
0x4a: {  	v6, v7, _ =	vpop (xrf1)  }
0x4b: {  	s11 =	simm.s32 $0x10010;
	v8, v10, _ =	vpop (xrf1)  }
0x4c: {  	s12 =	simm.s32 $0x12090;
	[tilespmem:s11+$0xFFFFFFF0] =	vst.msk $0xff, v5;
	v5, v11, _ =	vpop (xrf1)  }
0x4d: {  	[tilespmem:s12+$0xFFFFFFF0] =	vst.msk $0xff, v9;
	(xrf0) =	vmax.scan.msk.f32 $0xffff, v8;
	v9 =	vperm.xlane v11, v4  }
0x4e: {  	v5 =	vperm.xlane v5, v4  }
0x4f: {  	s1 =	simm.s32 $0x40  }
0x50: {  	s3 =	sor.u32 $0x50, s1;
	v11, v12, _ =	vpop (xrf1);
	v5 =	vsel vm0, v6, v5;
	v6 =	vsel vm0, v7, v9  }
0x51: {  	s17 =	sor.u32 $0x70, s1;
	v13 =	vld [tilespmem:s3+$0x0];
	v11 =	vperm.xlane v11, v4;
	v12 =	vperm.xlane v12, v4  }
0x52: {  	s1 =	sor.u32 $0x60, s1;
	v14 =	vld [tilespmem:s17+$0x0];
	v7, v9, _ =	vpop (xrf1)  }
0x53: {  	(xrf1) =	vsort.dscd.msk.f32 $0xffff, v5, v6;
	v5 =	vld [tilespmem:s1+$0x0];
	v6, _, _ =	vpop (xrf0);
	v7 =	vsel vm0, v7, v11;
	v9 =	vsel vm0, v9, v12  }
0x54: {  	v6 =	vbroadcast v6, $0xF;
	(xrf1) =	vsort.dscd.msk.f32 $0xffff, v7, v9;
	_ =	sdelay $0x1  }
0x55: {  	v7 =	vld [tilespmem:s0+$0xFFFFFFC0];
	(xrf1) =	vsort.dscd.msk.f32 $0xffff, v13, v1;
	v6 =	vsub.f32 v8, v6  }
0x56: {  	(xrf1) =	vsort.dscd.msk.f32 $0xffff, v14, v3  }
0x57: {  	(xrf1) =	vsort.dscd.msk.f32 $0xffff, v5, v2;
	v5 =	vmul.f32 $1.442695020e+00, v6;
	_ =	sdelay $0x1  }
0x58: {  	(erf) = vpow2.f32 v5  }
0x59: {  	(xrf1) =	vsort.dscd.msk.f32 $0xffff, v7, v0;
	_ =	sdelay $0x5  }
0x5a: {  	v5, v6, _ =	vpop (xrf1)  }
0x5b: {  	v7, v8, _ =	vpop (xrf1)  }
0x5c: {  	v14 =	vpop (erf)  }
0x5d: {  	v9, v11, _ =	vpop (xrf1)  }
0x5e: {  	v12, v13, _ =	vpop (xrf1)  }
0x5f: {  	v14 =	vnsel vm0, $0x0, v14;
	v12 =	vperm.xlane v12, v4;
	v13 =	vperm.xlane v13, v4  }
0x60: {  	v9 =	vperm.xlane v9, v4;
	(xrf2) =	vadd.scan.msk.f32 $0xffff, v14;
	v15, v16, _ =	vpop (xrf1)  }
0x61: {  	v11 =	vperm.xlane v11, v4;
	v12 =	vsel vm0, v15, v12;
	v13 =	vsel vm0, v16, v13  }
0x62: {  	v15, v16, _ =	vpop (xrf1);
	(xrf1) =	vsort.dscd.msk.f32 $0xffff, v12, v13  }
0x63: {  	v9 =	vsel vm0, v15, v9;
	v11 =	vsel vm0, v16, v11  }
0x64: {  	s23 =	simm.s32 $0x380;
	(xrf1) =	vsort.dscd.msk.f32 $0xffff, v9, v11  }
0x65: {  	v9 =	vld [tilespmem:s23+$0xFFFFFF80];
	_ =	sdelay $0x2  }
0x66: {  	v7 =	vperm.xlane v7, v4;
	v8 =	vperm.xlane v8, v4;
	v11 =	vld [tilespmem:s23+$0xFFFFFF90];
	_ =	sdelay $0x1  }
0x67: {  	v5 =	vsel vm0, v5, v7;
	v6 =	vsel vm0, v6, v8;
	(xrf1) =	vsort.dscd.msk.f32 $0xffff, v9, v0;
	v9, _, _ =	vpop (xrf2)  }
0x68: {  	(xrf1) =	vsort.dscd.msk.f32 $0xffff, v5, v6;
	v5 =	vbroadcast v9, $0xF  }
0x69: {  	v12 =	vld [tilespmem:s23+$0xFFFFFFB0]  }
0x6a: {  	v7 =	vld [tilespmem:s23+$0xFFFFFFA0];
	(xrf1) =	vsort.dscd.msk.f32 $0xffff, v11, v1;
	(erf) = vrcp.f32 v5;
	_ =	sdelay $0x2  }
0x6b: {  	v5, v6, _ =	vpop (xrf1)  }
0x6c: {  	(xrf1) =	vsort.dscd.msk.f32 $0xffff, v12, v3;
	v5 =	vperm.xlane v5, v4  }
0x6d: {  	(xrf1) =	vsort.dscd.msk.f32 $0xffff, v7, v2;
	v7, v8, _ =	vpop (xrf1)  }
0x6e: {  	v6 =	vperm.xlane v6, v4;
	v5 =	vsel vm0, v7, v5;
	_ =	sdelay $0x1  }
0x6f: {  	v6 =	vsel vm0, v8, v6  }
0x70: {  	(xrf1) =	vsort.dscd.msk.f32 $0xffff, v5, v6;
	v5 =	vpop (erf)  }
0x71: {  	v5 =	vmul.f32 v5, v14;
	_ =	sdelay $0x1  }
0x72: {  	v6, v7, _ =	vpop (xrf1)  }
0x73: {  	s13 =	simm.s32 $0x10030;
	v8, v9, _ =	vpop (xrf1)  }
0x74: {  	s14 =	simm.s32 $0x120B0;
	[tilespmem:s13+$0xFFFFFFF0] =	vst.msk $0xff, v5;
	v5, v11, _ =	vpop (xrf1)  }
0x75: {  	[tilespmem:s14+$0xFFFFFFF0] =	vst.msk $0xff, v10;
	v10 =	vperm.xlane v11, v4;
	_ =	sdelay $0x2  }
0x76: {  	(xrf0) =	vmax.scan.msk.f32 $0xffff, v8;
	v5 =	vperm.xlane v5, v4;
	v11, v12, _ =	vpop (xrf1)  }
0x77: {  	v11 =	vperm.xlane v11, v4;
	v12 =	vperm.xlane v12, v4  }
0x78: {  	s18 =	simm.s32 $0x140;
	v5 =	vsel vm0, v6, v5;
	v6 =	vsel vm0, v7, v10;
	v7, v10, _ =	vpop (xrf1)  }
0x79: {  	s19 =	sor.u32 $0x50, s18;
	v7 =	vsel vm0, v7, v11;
	v10 =	vsel vm0, v10, v12  }
0x7a: {  	s20 =	sor.u32 $0x70, s18;
	v13 =	vld [tilespmem:s19+$0x0]  }
0x7b: {  	v14 =	vld [tilespmem:s20+$0x0];
	(xrf1) =	vsort.dscd.msk.f32 $0xffff, v5, v6  }
0x7c: {  	s1 =	sor.u32 $0x60, s18;
	(xrf1) =	vsort.dscd.msk.f32 $0xffff, v7, v10;
	v7, _, _ =	vpop (xrf0)  }
0x7d: {  	v5 =	vld [tilespmem:s1+$0x0];
	v6, v10, _ =	vpop (xrf1)  }
0x7e: {  	v11 =	vld [tilespmem:s28+$0xFFFFFFC0];
	v7 =	vbroadcast v7, $0xF;
	(xrf0) =	vmax.scan.msk.f32 $0xffff, v6  }
0x7f: {  	(xrf1) =	vsort.dscd.msk.f32 $0xffff, v13, v1  }
0x80: {  	(xrf1) =	vsort.dscd.msk.f32 $0xffff, v14, v3;
	v7 =	vsub.f32 v8, v7;
	_ =	sdelay $0x1  }
0x81: {  	(xrf1) =	vsort.dscd.msk.f32 $0xffff, v5, v2  }
0x82: {  	(xrf1) =	vsort.dscd.msk.f32 $0xffff, v11, v0;
	v5 =	vmul.f32 $1.442695020e+00, v7  }
0x83: {  	v7, _, _ =	vpop (xrf0)  }
0x84: {  	(erf) = vpow2.f32 v5;
	v5 =	vbroadcast v7, $0xF;
	_ =	sdelay $0x1  }
0x85: {  	v5 =	vsub.f32 v6, v5;
	_ =	sdelay $0x1  }
0x86: {  	v5 =	vmul.f32 $1.442695020e+00, v5;
	_ =	sdelay $0x1  }
0x87: {  	v6, v7, _ =	vpop (xrf1)  }
0x88: {  	v8, v11, _ =	vpop (xrf1);
	(erf) = vpow2.f32 v5  }
0x89: {  	v5, v12, _ =	vpop (xrf1)  }
0x8a: {  	v13, v14, _ =	vpop (xrf1)  }
0x8b: {  	v15 =	vpop (erf);
	v13 =	vperm.xlane v13, v4;
	v14 =	vperm.xlane v14, v4  }
0x8c: {  	v15 =	vnsel vm0, $0x0, v15;
	v5 =	vperm.xlane v5, v4;
	v16, v17, _ =	vpop (xrf1)  }
0x8d: {  	(xrf2) =	vadd.scan.msk.f32 $0xffff, v15;
	v13 =	vsel vm0, v16, v13;
	v14 =	vsel vm0, v17, v14;
	v16, v17, _ =	vpop (xrf1)  }
0x8e: {  	v12 =	vperm.xlane v12, v4;
	v5 =	vsel vm0, v16, v5  }
0x8f: {  	(xrf1) =	vsort.dscd.msk.f32 $0xffff, v13, v14  }
0x90: {  	v12 =	vsel vm0, v17, v12  }
0x91: {  	s20 =	simm.s32 $0x480;
	(xrf1) =	vsort.dscd.msk.f32 $0xffff, v5, v12;
	v5 =	vpop (erf)  }
0x92: {  	v12 =	vnsel vm0, $0x0, v5;
	v5 =	vld [tilespmem:s20+$0xFFFFFF80];
	_ =	sdelay $0x2  }
0x93: {  	v13 =	vld [tilespmem:s20+$0xFFFFFF90]  }
0x94: {  	v8 =	vperm.xlane v8, v4;
	v11 =	vperm.xlane v11, v4;
	(xrf2) =	vadd.scan.msk.f32 $0xffff, v12  }
0x95: {  	(xrf1) =	vsort.dscd.msk.f32 $0xffff, v5, v0;
	v5, _, _ =	vpop (xrf2)  }
0x96: {  	v6 =	vsel vm0, v6, v8;
	v7 =	vsel vm0, v7, v11;
	v5 =	vbroadcast v5, $0xF  }
0x97: {  	v14 =	vld [tilespmem:s20+$0xFFFFFFB0];
	(xrf1) =	vsort.dscd.msk.f32 $0xffff, v6, v7  }
0x98: {  	v8 =	vld [tilespmem:s20+$0xFFFFFFA0];
	(xrf1) =	vsort.dscd.msk.f32 $0xffff, v13, v1;
	(erf) = vrcp.f32 v5;
	_ =	sdelay $0x2  }
0x99: {  	v5, v6, _ =	vpop (xrf1)  }
0x9a: {  	(xrf1) =	vsort.dscd.msk.f32 $0xffff, v14, v3;
	v5 =	vperm.xlane v5, v4  }
0x9b: {  	(xrf1) =	vsort.dscd.msk.f32 $0xffff, v8, v2;
	v8, v11, _ =	vpop (xrf1)  }
0x9c: {  	v6 =	vperm.xlane v6, v4;
	v5 =	vsel vm0, v8, v5  }
0x9d: {  	v7, _, _ =	vpop (xrf2)  }
0x9e: {  	v7 =	vbroadcast v7, $0xF;
	v6 =	vsel vm0, v11, v6  }
0x9f: {  	(xrf1) =	vsort.dscd.msk.f32 $0xffff, v5, v6;
	v5 =	vpop (erf)  }
0xa0: {  	(erf) = vrcp.f32 v7;
	v6 =	vmul.f32 v5, v15;
	_ =	sdelay $0x1  }
0xa1: {  	v7, v8, _ =	vpop (xrf1)  }
0xa2: {  	s15 =	simm.s32 $0x10050;
	v11, v5, _ =	vpop (xrf1)  }
0xa3: {  	s16 =	simm.s32 $0x120D0;
	[tilespmem:s15+$0xFFFFFFF0] =	vst.msk $0xff, v6;
	v6, v13, _ =	vpop (xrf1)  }
0xa4: {  	[tilespmem:s16+$0xFFFFFFF0] =	vst.msk $0xff, v9;
	v9 =	vperm.xlane v13, v4;
	_ =	sdelay $0x1  }
0xa5: {  	(xrf0) =	vmax.scan.msk.f32 $0xffff, v11  }
0xa6: {  	v6 =	vperm.xlane v6, v4;
	v13, v14, _ =	vpop (xrf1)  }
0xa7: {  	s21 =	simm.s32 $0x240;
	v16 =	vpop (erf);
	v14 =	vperm.xlane v14, v4  }
0xa8: {  	s22 =	sor.u32 $0x50, s21;
	v12 =	vmul.f32 v16, v12;
	v6 =	vsel vm0, v7, v6;
	v7 =	vsel vm0, v8, v9;
	v8, v9, _ =	vpop (xrf1)  }
0xa9: {  	s24 =	sor.u32 $0x70, s21;
	v15 =	vld [tilespmem:s22+$0x0];
	v13 =	vperm.xlane v13, v4;
	v9 =	vsel vm0, v9, v14  }
0xaa: {  	v17 =	vld [tilespmem:s24+$0x0];
	[tilespmem:s11+$0xFFFFFFF8] =	vst.msk $0xff, v12  }
0xab: {  	s1 =	sor.u32 $0x60, s21;
	(xrf1) =	vsort.dscd.msk.f32 $0xffff, v6, v7;
	[tilespmem:s12+$0xFFFFFFF8] =	vst.msk $0xff, v10;
	v10, _, _ =	vpop (xrf0);
	v8 =	vsel vm0, v8, v13  }
0xac: {  	v6 =	vld [tilespmem:s1+$0x0];
	(xrf1) =	vsort.dscd.msk.f32 $0xffff, v8, v9;
	v9, v7, _ =	vpop (xrf1)  }
0xad: {  	v10 =	vbroadcast v10, $0xF;
	v8 =	vld [tilespmem:s25+$0xFFFFFFC0];
	(xrf0) =	vmax.scan.msk.f32 $0xffff, v9  }
0xae: {  	(xrf1) =	vsort.dscd.msk.f32 $0xffff, v15, v1  }
0xaf: {  	v10 =	vsub.f32 v11, v10;
	(xrf1) =	vsort.dscd.msk.f32 $0xffff, v17, v3  }
0xb0: {  	v12 =	vld [tilespmem:s0+$0x30]  }
0xb1: {  	v13 =	vld [tilespmem:s0+$0x10];
	(xrf1) =	vsort.dscd.msk.f32 $0xffff, v6, v2  }
0xb2: {  	v14 =	vld [tilespmem:s0+$0x20];
	(xrf1) =	vsort.dscd.msk.f32 $0xffff, v8, v0;
	v8 =	vmul.f32 $1.442695020e+00, v10  }
0xb3: {  	v6 =	vld [tilespmem:s0+$0x0];
	v10, _, _ =	vpop (xrf0)  }
0xb4: {  	(erf) = vpow2.f32 v8;
	v8 =	vbroadcast v10, $0xF  }
0xb5: {  	(xrf1) =	vsort.dscd.msk.f32 $0xffff, v12, v3  }
0xb6: {  	(xrf1) =	vsort.dscd.msk.f32 $0xffff, v13, v1;
	v8 =	vsub.f32 v9, v8  }
0xb7: {  	(xrf1) =	vsort.dscd.msk.f32 $0xffff, v14, v2  }
0xb8: {  	(xrf1) =	vsort.dscd.msk.f32 $0xffff, v6, v0;
	v6 =	vmul.f32 $1.442695020e+00, v8;
	_ =	sdelay $0x1  }
0xb9: {  	v8, v9, _ =	vpop (xrf1)  }
0xba: {  	v10, v11, _ =	vpop (xrf1)  }
0xbb: {  	(erf) = vpow2.f32 v6;
	v6, v12, _ =	vpop (xrf1)  }
0xbc: {  	v13, v14, _ =	vpop (xrf1)  }
0xbd: {  	v14 =	vperm.xlane v14, v4  }
0xbe: {  	v13 =	vperm.xlane v13, v4;
	v16, v17, _ =	vpop (xrf1)  }
0xbf: {  	v14 =	vsel vm0, v17, v14  }
0xc0: {  	v13 =	vsel vm0, v16, v13  }
0xc1: {  	v15 =	vpop (erf);
	v12 =	vperm.xlane v12, v4  }
0xc2: {  	v6 =	vperm.xlane v6, v4;
	v16, v17, _ =	vpop (xrf1)  }
0xc3: {  	v15 =	vnsel vm0, $0x0, v15;
	(xrf1) =	vsort.dscd.msk.f32 $0xffff, v13, v14;
	v12 =	vsel vm0, v17, v12;
	v13, v14, _ =	vpop (xrf1)  }
0xc4: {  	(xrf2) =	vadd.scan.msk.f32 $0xffff, v15;
	v6 =	vsel vm0, v16, v6;
	v16, v17, _ =	vpop (xrf1)  }
0xc5: {  	v18 =	vpop (erf);
	v13 =	vperm.xlane v13, v4;
	v14 =	vperm.xlane v14, v4  }
0xc6: {  	(xrf1) =	vsort.dscd.msk.f32 $0xffff, v6, v12;
	v6 =	vperm.xlane v16, v4;
	v17 =	vperm.xlane v17, v4;
	v12, v16, _ =	vpop (xrf1)  }
0xc7: {  	v12 =	vsel vm0, v12, v13;
	v13 =	vsel vm0, v16, v14;
	v14 =	vnsel vm0, $0x0, v18;
	v16, v18, _ =	vpop (xrf1)  }
0xc8: {  	s22 =	simm.s32 $0x580;
	(xrf1) =	vsort.dscd.msk.f32 $0xffff, v12, v13;
	v6 =	vsel vm0, v16, v6;
	v12 =	vsel vm0, v18, v17  }
0xc9: {  	(xrf1) =	vsort.dscd.msk.f32 $0xffff, v6, v12;
	v6 =	vld [tilespmem:s22+$0xFFFFFF80];
	_ =	sdelay $0x3  }
0xca: {  	v10 =	vperm.xlane v10, v4  }
0xcb: {  	(xrf1) =	vsort.dscd.msk.f32 $0xffff, v6, v0;
	v6, _, _ =	vpop (xrf2)  }
0xcc: {  	v8 =	vsel vm0, v8, v10;
	(xrf2) =	vadd.scan.msk.f32 $0xffff, v14;
	v6 =	vbroadcast v6, $0xF  }
0xcd: {  	v11 =	vperm.xlane v11, v4;
	v12 =	vld [tilespmem:s22+$0xFFFFFF90]  }
0xce: {  	v13 =	vld [tilespmem:s22+$0xFFFFFFB0]  }
0xcf: {  	v9 =	vsel vm0, v9, v11  }
0xd0: {  	v10 =	vld [tilespmem:s22+$0xFFFFFFA0];
	(xrf1) =	vsort.dscd.msk.f32 $0xffff, v8, v9;
	(erf) = vrcp.f32 v6;
	v6, v8, _ =	vpop (xrf1)  }
0xd1: {  	v8 =	vperm.xlane v8, v4  }
0xd2: {  	(xrf1) =	vsort.dscd.msk.f32 $0xffff, v12, v1;
	v6 =	vperm.xlane v6, v4;
	v11, v12, _ =	vpop (xrf1)  }
0xd3: {  	(xrf1) =	vsort.dscd.msk.f32 $0xffff, v13, v3;
	v8 =	vsel vm0, v12, v8  }
0xd4: {  	v6 =	vsel vm0, v11, v6  }
0xd5: {  	(xrf1) =	vsort.dscd.msk.f32 $0xffff, v10, v2;
	v10, v11, _ =	vpop (xrf1)  }
0xd6: {  	v9, _, _ =	vpop (xrf2);
	v10 =	vperm.xlane v10, v4  }
0xd7: {  	v9 =	vbroadcast v9, $0xF;
	(xrf1) =	vsort.dscd.msk.f32 $0xffff, v6, v8;
	v6, v8, _ =	vpop (xrf1)  }
0xd8: {  	v11 =	vperm.xlane v11, v4;
	v6 =	vsel vm0, v6, v10  }
0xd9: {  	(erf) = vrcp.f32 v9  }
0xda: {  	v8 =	vsel vm0, v8, v11  }
0xdb: {  	(xrf1) =	vsort.dscd.msk.f32 $0xffff, v6, v8;
	v6 =	vpop (erf)  }
0xdc: {  	v8 =	vmul.f32 v6, v15;
	_ =	sdelay $0x1  }
0xdd: {  	v9, v10, _ =	vpop (xrf1)  }
0xde: {  	s18 =	simm.s32 $0x10070;
	v11, v6, _ =	vpop (xrf1)  }
0xdf: {  	s17 =	simm.s32 $0x120F0;
	[tilespmem:s18+$0xFFFFFFF0] =	vst.msk $0xff, v8;
	v8, v12, _ =	vpop (xrf1)  }
0xe0: {  	(xrf0) =	vmax.scan.msk.f32 $0xffff, v11;
	[tilespmem:s17+$0xFFFFFFF0] =	vst.msk $0xff, v5;
	v5 =	vperm.xlane v8, v4;
	v8 =	vperm.xlane v12, v4;
	v12, v13, _ =	vpop (xrf1)  }
0xe1: {  	v16 =	vpop (erf);
	v12 =	vperm.xlane v12, v4  }
0xe2: {  	s26 =	simm.s32 $0x340;
	v13 =	vperm.xlane v13, v4;
	v5 =	vsel vm0, v9, v5;
	v8 =	vsel vm0, v10, v8;
	v9, v10, _ =	vpop (xrf1)  }
0xe3: {  	s2 =	sor.u32 $0x50, s26;
	v14 =	vmul.f32 v16, v14;
	v9 =	vsel vm0, v9, v12  }
0xe4: {  	s4 =	sor.u32 $0x70, s26;
	v15 =	vld [tilespmem:s2+$0x0];
	v10 =	vsel vm0, v10, v13  }
0xe5: {  	[tilespmem:s13+$0xFFFFFFF8] =	vst.msk $0xff, v14;
	v17 =	vld [tilespmem:s4+$0x0]  }
0xe6: {  	s1 =	sor.u32 $0x60, s26;
	[tilespmem:s14+$0xFFFFFFF8] =	vst.msk $0xff, v7;
	(xrf1) =	vsort.dscd.msk.f32 $0xffff, v5, v8;
	v7, _, _ =	vpop (xrf0)  }
0xe7: {  	v5 =	vld [tilespmem:s1+$0x0];
	(xrf1) =	vsort.dscd.msk.f32 $0xffff, v9, v10;
	v10, v9, _ =	vpop (xrf1)  }
0xe8: {  	v8 =	vld [tilespmem:s23+$0xFFFFFFC0];
	v13 =	vbroadcast v7, $0xF;
	(xrf0) =	vmax.scan.msk.f32 $0xffff, v10  }
0xe9: {  	(xrf1) =	vsort.dscd.msk.f32 $0xffff, v15, v1  }
0xea: {  	(xrf1) =	vsort.dscd.msk.f32 $0xffff, v17, v3;
	v11 =	vsub.f32 v11, v13;
	_ =	sdelay $0x1  }
0xeb: {  	v12 =	vld [tilespmem:s28+$0x30];
	(xrf1) =	vsort.dscd.msk.f32 $0xffff, v5, v2  }
0xec: {  	v14 =	vld [tilespmem:s28+$0x10];
	v15, v7, _ =	vpop (xrf1);
	(xrf1) =	vsort.dscd.msk.f32 $0xffff, v8, v0;
	v8 =	vmul.f32 $1.442695020e+00, v11  }
0xed: {  	v16 =	vld [tilespmem:s28+$0x20];
	(xrf0) =	vmax.scan.msk.f32 $0xffff, v15;
	v11, _, _ =	vpop (xrf0)  }
0xee: {  	v5 =	vld [tilespmem:s28+$0x0];
	(erf) = vpow2.f32 v8;
	v8 =	vbroadcast v11, $0xF;
	_ =	sdelay $0x1  }
0xef: {  	(xrf1) =	vsort.dscd.msk.f32 $0xffff, v12, v3;
	v8 =	vsub.f32 v10, v8  }
0xf0: {  	(xrf1) =	vsort.dscd.msk.f32 $0xffff, v14, v1  }
0xf1: {  	(xrf1) =	vsort.dscd.msk.f32 $0xffff, v16, v2;
	v8 =	vmul.f32 $1.442695020e+00, v8  }
0xf2: {  	(xrf1) =	vsort.dscd.msk.f32 $0xffff, v5, v0;
	v5, _, _ =	vpop (xrf0)  }
0xf3: {  	v10, v11, _ =	vpop (xrf1)  }
0xf4: {  	v12, v13, _ =	vpop (xrf1)  }
0xf5: {  	(erf) = vpow2.f32 v8;
	v8, v14, _ =	vpop (xrf1)  }
0xf6: {  	v16, v17, _ =	vpop (xrf1)  }
0xf7: {  	v5 =	vbroadcast v5, $0xF;
	v17 =	vperm.xlane v17, v4  }
0xf8: {  	v16 =	vperm.xlane v16, v4  }
0xf9: {  	v5 =	vsub.f32 v15, v5;
	v15, v19, _ =	vpop (xrf1)  }
0xfa: {  	v18 =	vpop (erf);
	v14 =	vperm.xlane v14, v4;
	v15 =	vsel vm0, v15, v16;
	v16 =	vsel vm0, v19, v17  }
0xfb: {  	v8 =	vperm.xlane v8, v4;
	v17, v19, _ =	vpop (xrf1)  }
0xfc: {  	v18 =	vnsel vm0, $0x0, v18;
	v14 =	vsel vm0, v19, v14  }
0xfd: {  	(xrf2) =	vadd.scan.msk.f32 $0xffff, v18;
	v8 =	vsel vm0, v17, v8  }
0xfe: {  	v5 =	vmul.f32 $1.442695020e+00, v5;
	(xrf1) =	vsort.dscd.msk.f32 $0xffff, v15, v16;
	v15, v16, _ =	vpop (xrf1)  }
0xff: {  	v15 =	vperm.xlane v15, v4;
	v16 =	vperm.xlane v16, v4;
	v17, v19, _ =	vpop (xrf1)  }
0x100: {  	(erf) = vpow2.f32 v5;
	(xrf1) =	vsort.dscd.msk.f32 $0xffff, v8, v14;
	v8, v14, _ =	vpop (xrf1)  }
0x101: {  	s24 =	simm.s32 $0x680;
	v5 =	vperm.xlane v17, v4;
	v17 =	vpop (erf);
	v8 =	vsel vm0, v8, v15;
	v14 =	vsel vm0, v14, v16  }
0x102: {  	v19 =	vperm.xlane v19, v4;
	(xrf1) =	vsort.dscd.msk.f32 $0xffff, v8, v14;
	v14 =	vld [tilespmem:s24+$0xFFFFFF80]  }
0x103: {  	v15 =	vnsel vm0, $0x0, v17;
	v16, v17, _ =	vpop (xrf1)  }
0x104: {  	v5 =	vsel vm0, v16, v5;
	v8 =	vsel vm0, v17, v19  }
0x105: {  	(xrf1) =	vsort.dscd.msk.f32 $0xffff, v5, v8;
	v5 =	vperm.xlane v12, v4;
	v8 =	vperm.xlane v13, v4  }
0x106: {  	(xrf2) =	vadd.scan.msk.f32 $0xffff, v15  }
0x107: {  	v12 =	vld [tilespmem:s24+$0xFFFFFF90];
	v5 =	vsel vm0, v10, v5;
	v8 =	vsel vm0, v11, v8;
	v11, _, _ =	vpop (xrf2);
	(xrf1) =	vsort.dscd.msk.f32 $0xffff, v14, v0  }
0x108: {  	v13 =	vld [tilespmem:s24+$0xFFFFFFB0];
	(xrf1) =	vsort.dscd.msk.f32 $0xffff, v5, v8;
	v8 =	vbroadcast v11, $0xF  }
0x109: {  	v16 =	vpop (erf);
	v5 =	vld [tilespmem:s24+$0xFFFFFFA0]  }
0x10a: {  	v10 =	vnsel vm0, $0x0, v16  }
0x10b: {  	(xrf2) =	vadd.scan.msk.f32 $0xffff, v10  }
0x10c: {  	(xrf1) =	vsort.dscd.msk.f32 $0xffff, v12, v1;
	(erf) = vrcp.f32 v8;
	v8, v11, _ =	vpop (xrf1)  }
0x10d: {  	(xrf1) =	vsort.dscd.msk.f32 $0xffff, v13, v3;
	v8 =	vperm.xlane v8, v4  }
0x10e: {  	v13, v14, _ =	vpop (xrf1);
	(xrf1) =	vsort.dscd.msk.f32 $0xffff, v5, v2;
	v5 =	vperm.xlane v11, v4  }
0x10f: {  	v8 =	vsel vm0, v13, v8  }
0x110: {  	v12, _, _ =	vpop (xrf2);
	v5 =	vsel vm0, v14, v5  }
0x111: {  	v11 =	vbroadcast v12, $0xF;
	v12, v13, _ =	vpop (xrf1)  }
0x112: {  	v12 =	vperm.xlane v12, v4  }
0x113: {  	(erf) = vrcp.f32 v11;
	(xrf1) =	vsort.dscd.msk.f32 $0xffff, v8, v5;
	v5, v8, _ =	vpop (xrf1)  }
0x114: {  	v13 =	vperm.xlane v13, v4;
	v5 =	vsel vm0, v5, v12;
	_ =	sdelay $0x1  }
0x115: {  	v8 =	vsel vm0, v8, v13  }
0x116: {  	(xrf1) =	vsort.dscd.msk.f32 $0xffff, v5, v8;
	v5, _, _ =	vpop (xrf2)  }
0x117: {  	v5 =	vbroadcast v5, $0xF  }
0x118: {  	v8 =	vpop (erf)  }
0x119: {  	v8 =	vmul.f32 v8, v18;
	(erf) = vrcp.f32 v5  }
0x11a: {  	v11, v12, _ =	vpop (xrf1)  }
0x11b: {  	s19 =	simm.s32 $0x10090;
	v18 =	vpop (erf)  }
0x11c: {  	s5 =	simm.s32 $0x440;
	s21 =	simm.s32 $0x12110;
	[tilespmem:s19+$0xFFFFFFF0] =	vst.msk $0xff, v8;
	v13, v5, _ =	vpop (xrf1)  }
0x11d: {  	s6 =	sor.u32 $0x50, s5;
	v15 =	vmul.f32 v18, v15;
	[tilespmem:s21+$0xFFFFFFF0] =	vst.msk $0xff, v6;
	(xrf0) =	vmax.scan.msk.f32 $0xffff, v13;
	v8, v14, _ =	vpop (xrf1)  }
0x11e: {  	s8 =	sor.u32 $0x70, s5;
	v17 =	vld [tilespmem:s6+$0x0];
	v6 =	vperm.xlane v8, v4;
	v8 =	vperm.xlane v14, v4;
	v14, v16, _ =	vpop (xrf1)  }
0x11f: {  	v19 =	vld [tilespmem:s8+$0x0];
	v14 =	vperm.xlane v14, v4;
	v16 =	vperm.xlane v16, v4  }
0x120: {  	v6 =	vsel vm0, v11, v6;
	v8 =	vsel vm0, v12, v8;
	v11, v12, _ =	vpop (xrf1)  }
0x121: {  	[tilespmem:s15+$0xFFFFFFF8] =	vst.msk $0xff, v15;
	v11 =	vsel vm0, v11, v14;
	v12 =	vsel vm0, v12, v16;
	(xrf1) =	vsort.dscd.msk.f32 $0xffff, v6, v8  }
0x122: {  	s1 =	sor.u32 $0x60, s5;
	[tilespmem:s16+$0xFFFFFFF8] =	vst.msk $0xff, v9;
	(xrf1) =	vsort.dscd.msk.f32 $0xffff, v11, v12;
	v9 =	vpop (erf)  }
0x123: {  	v11 =	vld [tilespmem:s1+$0x0];
	v6, _, _ =	vpop (xrf0);
	(xrf1) =	vsort.dscd.msk.f32 $0xffff, v17, v1  }
0x124: {  	v12 =	vld [tilespmem:s20+$0xFFFFFFC0];
	v14, v8, _ =	vpop (xrf1);
	v16 =	vbroadcast v6, $0xF;
	(xrf1) =	vsort.dscd.msk.f32 $0xffff, v19, v3  }
0x125: {  	v15 =	vld [tilespmem:s25+$0x30];
	(xrf0) =	vmax.scan.msk.f32 $0xffff, v14;
	v18, v6, _ =	vpop (xrf1)  }
0x126: {  	v17 =	vld [tilespmem:s25+$0x10];
	v9 =	vmul.f32 v9, v10;
	(xrf0) =	vmax.scan.msk.f32 $0xffff, v18;
	v13 =	vsub.f32 v13, v16  }
0x127: {  	v10 =	vld [tilespmem:s25+$0x20]  }
0x128: {  	[tilespmem:s11+$0x0] =	vst.msk $0xff, v9;
	v9 =	vld [tilespmem:s25+$0x0];
	(xrf1) =	vsort.dscd.msk.f32 $0xffff, v11, v2;
	v11 =	vmul.f32 $1.442695020e+00, v13  }
0x129: {  	(xrf1) =	vsort.dscd.msk.f32 $0xffff, v12, v0  }
0x12a: {  	s9 =	simm.s32 $0xC0;
	(xrf1) =	vsort.dscd.msk.f32 $0xffff, v15, v3  }
0x12b: {  	s26 =	sor.u32 $0x70, s9;
	[tilespmem:s12+$0x0] =	vst.msk $0xff, v7;
	(xrf1) =	vsort.dscd.msk.f32 $0xffff, v17, v1;
	v7, _, _ =	vpop (xrf0)  }
0x12c: {  	s4 =	sor.u32 $0x50, s9;
	v12 =	vld [tilespmem:s26+$0x0];
	(erf) = vpow2.f32 v11;
	(xrf1) =	vsort.dscd.msk.f32 $0xffff, v10, v2;
	v11, _, _ =	vpop (xrf0)  }
0x12d: {  	s1 =	sor.u32 $0x60, s9;
	v10 =	vld [tilespmem:s4+$0x0];
	v7 =	vbroadcast v7, $0xF;
	(xrf1) =	vsort.dscd.msk.f32 $0xffff, v9, v0;
	v9 =	vbroadcast v11, $0xF  }
0x12e: {  	v13 =	vld [tilespmem:s1+$0x0]  }
0x12f: {  	v7 =	vsub.f32 v14, v7;
	v9 =	vsub.f32 v18, v9  }
0x130: {  	v11 =	vld [tilespmem:s0+$0x40]  }
0x131: {  	(xrf1) =	vsort.dscd.msk.f32 $0xffff, v12, v3;
	v12, v14, _ =	vpop (xrf1);
	v7 =	vmul.f32 $1.442695020e+00, v7  }
0x132: {  	(xrf1) =	vsort.dscd.msk.f32 $0xffff, v10, v1;
	v10, v15, _ =	vpop (xrf1)  }
0x133: {  	(xrf1) =	vsort.dscd.msk.f32 $0xffff, v13, v2;
	(erf) = vpow2.f32 v7;
	v7 =	vmul.f32 $1.442695020e+00, v9;
	v9, v13, _ =	vpop (xrf1)  }
0x134: {  	v16, v17, _ =	vpop (xrf1)  }
0x135: {  	(xrf1) =	vsort.dscd.msk.f32 $0xffff, v11, v0;
	v11 =	vperm.xlane v16, v4;
	v16 =	vperm.xlane v17, v4  }
0x136: {  	v17, v18, _ =	vpop (xrf1)  }
0x137: {  	v16 =	vsel vm0, v18, v16  }
0x138: {  	v11 =	vsel vm0, v17, v11  }
0x139: {  	(erf) = vpow2.f32 v7;
	v13 =	vperm.xlane v13, v4;
	v7 =	vpop (erf)  }
0x13a: {  	v9 =	vperm.xlane v9, v4;
	v17, v18, _ =	vpop (xrf1)  }
0x13b: {  	(xrf1) =	vsort.dscd.msk.f32 $0xffff, v11, v16;
	v13 =	vsel vm0, v18, v13;
	v11, v16, _ =	vpop (xrf1)  }
0x13c: {  	v9 =	vsel vm0, v17, v9;
	v17, v18, _ =	vpop (xrf1)  }
0x13d: {  	v20 =	vpop (erf);
	v11 =	vperm.xlane v11, v4;
	v16 =	vperm.xlane v16, v4  }
0x13e: {  	v7 =	vnsel vm0, $0x0, v7;
	(xrf1) =	vsort.dscd.msk.f32 $0xffff, v9, v13;
	v9 =	vperm.xlane v17, v4;
	v18 =	vperm.xlane v18, v4;
	v13, v17, _ =	vpop (xrf1)  }
0x13f: {  	(xrf2) =	vadd.scan.msk.f32 $0xffff, v7;
	v11 =	vsel vm0, v13, v11;
	v13 =	vsel vm0, v17, v16;
	v16 =	vnsel vm0, $0x0, v20;
	v17, v20, _ =	vpop (xrf1)  }
0x140: {  	s26 =	simm.s32 $0x780;
	(xrf1) =	vsort.dscd.msk.f32 $0xffff, v11, v13;
	v11 =	vsel vm0, v20, v18  }
0x141: {  	v19 =	vld [tilespmem:s26+$0xFFFFFF80];
	v9 =	vsel vm0, v17, v9;
	_ =	sdelay $0x2  }
0x142: {  	v15 =	vperm.xlane v15, v4;
	(xrf1) =	vsort.dscd.msk.f32 $0xffff, v9, v11;
	v9, v11, _ =	vpop (xrf1)  }
0x143: {  	v9 =	vperm.xlane v9, v4;
	v17, v18, _ =	vpop (xrf1)  }
0x144: {  	v10 =	vperm.xlane v10, v4;
	(xrf1) =	vsort.dscd.msk.f32 $0xffff, v19, v0;
	v19, v20, _ =	vpop (xrf1)  }
0x145: {  	v11 =	vperm.xlane v11, v4;
	v9 =	vsel vm0, v19, v9  }
0x146: {  	v10 =	vsel vm0, v12, v10  }
0x147: {  	v12 =	vsel vm0, v14, v15;
	(xrf2) =	vadd.scan.msk.f32 $0xffff, v16;
	v17 =	vperm.xlane v17, v4;
	v11 =	vsel vm0, v20, v11;
	v14, v15, _ =	vpop (xrf1)  }
0x148: {  	(xrf1) =	vsort.dscd.msk.f32 $0xffff, v9, v11;
	v9, _, _ =	vpop (xrf2)  }
0x149: {  	(xrf1) =	vsort.dscd.msk.f32 $0xffff, v10, v12;
	v10 =	vsel vm0, v14, v17;
	v9 =	vbroadcast v9, $0xF  }
0x14a: {  	v21 =	vld [tilespmem:s26+$0xFFFFFF90];
	v13 =	vpop (erf);
	v18 =	vperm.xlane v18, v4  }
0x14b: {  	v13 =	vnsel vm0, $0x0, v13;
	v19 =	vld [tilespmem:s26+$0xFFFFFFB0]  }
0x14c: {  	(xrf2) =	vadd.scan.msk.f32 $0xffff, v13;
	v11 =	vsel vm0, v15, v18;
	v12 =	vld [tilespmem:s26+$0xFFFFFFA0]  }
0x14d: {  	(xrf1) =	vsort.dscd.msk.f32 $0xffff, v10, v11;
	(erf) = vrcp.f32 v9;
	v9, v10, _ =	vpop (xrf1)  }
0x14e: {  	v10 =	vperm.xlane v10, v4  }
0x14f: {  	(xrf1) =	vsort.dscd.msk.f32 $0xffff, v21, v1;
	v9 =	vperm.xlane v9, v4;
	v14, v15, _ =	vpop (xrf1)  }
0x150: {  	(xrf1) =	vsort.dscd.msk.f32 $0xffff, v19, v3;
	v10 =	vsel vm0, v15, v10  }
0x151: {  	(xrf1) =	vsort.dscd.msk.f32 $0xffff, v12, v2;
	v9 =	vsel vm0, v14, v9;
	v12, v14, _ =	vpop (xrf1)  }
0x152: {  	v11, _, _ =	vpop (xrf2);
	v12 =	vperm.xlane v12, v4  }
0x153: {  	v11 =	vbroadcast v11, $0xF;
	v14 =	vperm.xlane v14, v4  }
0x154: {  	(xrf1) =	vsort.dscd.msk.f32 $0xffff, v9, v10;
	v9, v10, _ =	vpop (xrf1)  }
0x155: {  	v10 =	vsel vm0, v10, v14  }
0x156: {  	v15, _, _ =	vpop (xrf2);
	v9 =	vsel vm0, v9, v12  }
0x157: {  	(erf) = vrcp.f32 v11;
	v11, v12, _ =	vpop (xrf1)  }
0x158: {  	v15 =	vbroadcast v15, $0xF;
	(xrf1) =	vsort.dscd.msk.f32 $0xffff, v9, v10;
	v10, v14, _ =	vpop (xrf1)  }
0x159: {  	v9 =	vpop (erf);
	v14 =	vperm.xlane v14, v4  }
0x15a: {  	v9 =	vmul.f32 v9, v7;
	v17, v7, _ =	vpop (xrf1);
	v10 =	vperm.xlane v10, v4  }
0x15b: {  	s0 =	simm.s32 $0x100B0;
	v18, v19, _ =	vpop (xrf1)  }
0x15c: {  	[tilespmem:s0+$0xFFFFFFF0] =	vst.msk $0xff, v9;
	v9 =	vsel vm0, v18, v10;
	v10 =	vsel vm0, v19, v14  }
0x15d: {  	s2 =	simm.s32 $0x540;
	s1 =	simm.s32 $0x12130;
	(erf) = vrcp.f32 v15;
	v14, v15, _ =	vpop (xrf1)  }
0x15e: {  	s5 =	sor.u32 $0x50, s2;
	(xrf0) =	vmax.scan.msk.f32 $0xffff, v17;
	[tilespmem:s1+$0xFFFFFFF0] =	vst.msk $0xff, v5  }
0x15f: {  	s6 =	sor.u32 $0x70, s2;
	(xrf1) =	vsort.dscd.msk.f32 $0xffff, v9, v10;
	v5 =	vperm.xlane v14, v4;
	v9 =	vperm.xlane v15, v4;
	v15 =	vld [tilespmem:s5+$0x0];
	v10, v14, _ =	vpop (xrf1)  }
0x160: {  	v18 =	vpop (erf);
	v19 =	vld [tilespmem:s6+$0x0];
	v10 =	vperm.xlane v10, v4;
	v14 =	vperm.xlane v14, v4  }
0x161: {  	s3 =	sor.u32 $0x60, s2;
	v16 =	vmul.f32 v18, v16;
	v5 =	vsel vm0, v11, v5;
	v9 =	vsel vm0, v12, v9;
	v11, v12, _ =	vpop (xrf1)  }
0x162: {  	(xrf1) =	vsort.dscd.msk.f32 $0xffff, v5, v9;
	v5 =	vld [tilespmem:s3+$0x0];
	v10 =	vsel vm0, v11, v10;
	v11 =	vsel vm0, v12, v14  }
0x163: {  	[tilespmem:s18+$0xFFFFFFF8] =	vst.msk $0xff, v16;
	(xrf1) =	vsort.dscd.msk.f32 $0xffff, v10, v11  }
0x164: {  	[tilespmem:s17+$0xFFFFFFF8] =	vst.msk $0xff, v8;
	v8, _, _ =	vpop (xrf0);
	v10 =	vld [tilespmem:s22+$0xFFFFFFC0];
	(xrf1) =	vsort.dscd.msk.f32 $0xffff, v15, v1  }
0x165: {  	v14 =	vbroadcast v8, $0xF;
	v11, v9, _ =	vpop (xrf1);
	(xrf1) =	vsort.dscd.msk.f32 $0xffff, v19, v3  }
0x166: {  	(xrf0) =	vmax.scan.msk.f32 $0xffff, v11;
	v16, v8, _ =	vpop (xrf1)  }
0x167: {  	v12 =	vld [tilespmem:s23+$0x30];
	v14 =	vsub.f32 v17, v14;
	(xrf1) =	vsort.dscd.msk.f32 $0xffff, v5, v2;
	v5 =	vpop (erf)  }
0x168: {  	(xrf0) =	vmax.scan.msk.f32 $0xffff, v16;
	v5 =	vmul.f32 v5, v13  }
0x169: {  	(xrf1) =	vsort.dscd.msk.f32 $0xffff, v10, v0;
	v10 =	vmul.f32 $1.442695020e+00, v14;
	_ =	sdelay $0x1  }
0x16a: {  	v15 =	vld [tilespmem:s23+$0x10]  }
0x16b: {  	v13 =	vld [tilespmem:s23+$0x20];
	(xrf1) =	vsort.dscd.msk.f32 $0xffff, v12, v3;
	[tilespmem:s13+$0x0] =	vst.msk $0xff, v5;
	v12, _, _ =	vpop (xrf0)  }
0x16c: {  	(erf) = vpow2.f32 v10;
	[tilespmem:s14+$0x0] =	vst.msk $0xff, v6;
	v10, v5, _ =	vpop (xrf1);
	v6 =	vbroadcast v12, $0xF  }
0x16d: {  	s8 =	simm.s32 $0x1C0;
	v14 =	vld [tilespmem:s23+$0x0];
	v12, _, _ =	vpop (xrf0)  }
0x16e: {  	s9 =	sor.u32 $0x70, s8;
	(xrf0) =	vmax.scan.msk.f32 $0xffff, v10;
	v20 =	vbroadcast v12, $0xF;
	v18 =	vsub.f32 v11, v6  }
0x16f: {  	s5 =	sor.u32 $0x50, s8;
	(xrf1) =	vsort.dscd.msk.f32 $0xffff, v15, v1;
	v15 =	vld [tilespmem:s9+$0x0]  }
0x170: {  	s3 =	sor.u32 $0x60, s8;
	v17 =	vld [tilespmem:s5+$0x0];
	(xrf1) =	vsort.dscd.msk.f32 $0xffff, v13, v2;
	v18 =	vmul.f32 $1.442695020e+00, v18  }
0x171: {  	v19 =	vld [tilespmem:s3+$0x0];
	v11, v6, _ =	vpop (xrf1)  }
0x172: {  	v21 =	vld [tilespmem:s28+$0x40];
	v13, v12, _ =	vpop (xrf1);
	(xrf1) =	vsort.dscd.msk.f32 $0xffff, v14, v0  }
0x173: {  	v14 =	vsub.f32 v16, v20;
	v16, v20, _ =	vpop (xrf1)  }
0x174: {  	(erf) = vpow2.f32 v18;
	(xrf1) =	vsort.dscd.msk.f32 $0xffff, v15, v3;
	v15, _, _ =	vpop (xrf0)  }
0x175: {  	(xrf1) =	vsort.dscd.msk.f32 $0xffff, v17, v1;
	v14 =	vmul.f32 $1.442695020e+00, v14;
	v15 =	vbroadcast v15, $0xF;
	v17, v18, _ =	vpop (xrf1)  }
0x176: {  	(xrf1) =	vsort.dscd.msk.f32 $0xffff, v19, v2;
	v19 =	vpop (erf);
	v17 =	vperm.xlane v17, v4;
	v18 =	vperm.xlane v18, v4  }
0x177: {  	(erf) = vpow2.f32 v14;
	(xrf1) =	vsort.dscd.msk.f32 $0xffff, v21, v0;
	v14 =	vperm.xlane v16, v4;
	v16, v21, _ =	vpop (xrf1)  }
0x178: {  	v16 =	vsel vm0, v16, v17;
	v17 =	vsel vm0, v21, v18  }
0x179: {  	v20 =	vperm.xlane v20, v4  }
0x17a: {  	v22 =	vsub.f32 v10, v15;
	v10 =	vnsel vm0, $0x0, v19  }
0x17b: {  	s31 =	simm.s32 $0x4C0;
	s30 =	simm.s32 $0x5C0;
	s29 =	simm.s32 $0x12130;
	(xrf2) =	vadd.scan.msk.f32 $0xffff, v10;
	v15, v18, _ =	vpop (xrf1)  }
0x17c: {  	s4 =	simm.s32 $0x5C0;
	s8 =	simm.s32 $0x3C0;
	s3 =	simm.s32 $0x2C0;
	(xrf1) =	vsort.dscd.msk.f32 $0xffff, v16, v17;
	v15 =	vsel vm0, v15, v14;
	v16, v17, _ =	vpop (xrf1);
	v14 =	vmul.f32 $1.442695020e+00, v22  }
0x17d: {  	s9 =	simm.s32 $0x1C;
	s5 =	simm.s32 $0x880;
	s28 =	simm.s32 $0x100B0;
	v19 =	vsel vm0, v18, v20;
	v16 =	vperm.xlane v16, v4;
	v17 =	vperm.xlane v17, v4;
	v20, v18, _ =	vpop (xrf1)  }
.LBB2_2:
0x17e: {  	v21 =	vld [tilespmem:s5+$0xFFFFFF80];
	(xrf1) =	vsort.dscd.msk.f32 $0xffff, v15, v19;
	v15 =	vperm.xlane v20, v4;
	v19, v20, _ =	vpop (xrf1);
	(erf) = vpow2.f32 v14  }
0x17f: {  	v18 =	vperm.xlane v18, v4;
	v14 =	vpop (erf);
	v23 =	vsel vm0, v19, v16;
	v22 =	vsel vm0, v20, v17  }
0x180: {  	v14 =	vnsel vm0, $0x0, v14;
	v19, v20, _ =	vpop (xrf1);
	(xrf1) =	vsort.dscd.msk.f32 $0xffff, v23, v22  }
0x181: {  	v13 =	vperm.xlane v13, v4;
	(xrf2) =	vadd.scan.msk.f32 $0xffff, v14;
	v22 =	vsel vm0, v19, v15;
	v20 =	vsel vm0, v20, v18;
	v17 =	vpop (erf)  }
0x182: {  	(xrf1) =	vsort.dscd.msk.f32 $0xffff, v22, v20;
	v15, v16, _ =	vpop (xrf1)  }
0x183: {  	(xrf1) =	vsort.dscd.msk.f32 $0xffff, v21, v0;
	v15 =	vperm.xlane v15, v4;
	v16 =	vperm.xlane v16, v4;
	v18, v19, _ =	vpop (xrf1)  }
0x184: {  	v24 =	vperm.xlane v12, v4;
	v17 =	vnsel vm0, $0x0, v17;
	v18 =	vperm.xlane v18, v4;
	v20, v21, _ =	vpop (xrf1)  }
0x185: {  	v19 =	vperm.xlane v19, v4;
	v22 =	vld [tilespmem:s5+$0xFFFFFF90];
	v23, _, _ =	vpop (xrf2);
	(xrf2) =	vadd.scan.msk.f32 $0xffff, v17;
	v15 =	vsel vm0, v20, v15;
	v16 =	vsel vm0, v21, v16  }
0x186: {  	v11 =	vsel vm0, v11, v13;
	v6 =	vsel vm0, v6, v24;
	v20 =	vld [tilespmem:s5+$0xFFFFFFB0];
	v12, v13, _ =	vpop (xrf1);
	(xrf1) =	vsort.dscd.msk.f32 $0xffff, v15, v16  }
0x187: {  	v21 =	vbroadcast v23, $0xF;
	(xrf1) =	vsort.dscd.msk.f32 $0xffff, v11, v6;
	v11 =	vsel vm0, v12, v18;
	v16 =	vsel vm0, v13, v19;
	v13 =	vpop (erf)  }
0x188: {  	v15 =	vld [tilespmem:s5+$0xFFFFFFA0];
	(xrf1) =	vsort.dscd.msk.f32 $0xffff, v11, v16;
	v11 =	vnsel vm0, $0x0, v13  }
0x189: {  	(erf) = vrcp.f32 v21;
	(xrf2) =	vadd.scan.msk.f32 $0xffff, v11  }
0x18a: {  	(xrf1) =	vsort.dscd.msk.f32 $0xffff, v22, v1;
	v6, v12, _ =	vpop (xrf1)  }
0x18b: {  	(xrf1) =	vsort.dscd.msk.f32 $0xffff, v20, v3;
	v13, _, _ =	vpop (xrf2)  }
0x18c: {  	v6 =	vperm.xlane v6, v4;
	v16, v18, _ =	vpop (xrf1)  }
0x18d: {  	v19 =	vperm.xlane v12, v4;
	(xrf1) =	vsort.dscd.msk.f32 $0xffff, v15, v2  }
0x18e: {  	v13 =	vbroadcast v13, $0xF;
	v22 =	vsel vm0, v16, v6;
	v15, v16, _ =	vpop (xrf1)  }
0x18f: {  	v21 =	vsel vm0, v18, v19;
	v15 =	vperm.xlane v15, v4;
	v16 =	vperm.xlane v16, v4;
	v18, _, _ =	vpop (xrf2)  }
0x190: {  	(xrf1) =	vsort.dscd.msk.f32 $0xffff, v22, v21;
	v6, v12, _ =	vpop (xrf1)  }
0x191: {  	v19, v20, _ =	vpop (xrf1);
	(erf) = vrcp.f32 v13;
	v6 =	vsel vm0, v6, v15;
	v15 =	vsel vm0, v12, v16  }
0x192: {  	v18 =	vbroadcast v18, $0xF;
	v13 =	vpop (erf);
	(xrf1) =	vsort.dscd.msk.f32 $0xffff, v6, v15  }
0x193: {  	v10 =	vmul.f32 v13, v10;
	v12, _, _ =	vpop (xrf2)  }
0x194: {  	(erf) = vrcp.f32 v18;
	v6, v13, _ =	vpop (xrf1);
	v12 =	vbroadcast v12, $0xF  }
0x195: {  	v15, v16, _ =	vpop (xrf1);
	v6 =	vperm.xlane v6, v4;
	v22 =	vperm.xlane v13, v4  }
0x196: {  	s4 =	sadd.s32 $0x100, s4;
	s0 =	sadd.s32 $0x20, s0;
	(xrf0) =	vmax.scan.msk.f32 $0xffff, v15;
	v18, v21, _ =	vpop (xrf1);
	(erf) = vrcp.f32 v12  }
0x197: {  	s1 =	sadd.s32 $0x20, s1;
	s6 =	sadd.s32 $0xFFFFFF80, s4;
	[tilespmem:s0+$0xFFFFFFF0] =	vst.msk $0xff, v10;
	v6 =	vsel vm0, v18, v6;
	v10 =	vsel vm0, v21, v22  }
0x198: {  	s2 =	sor.u32 $0x50, s6;
	v12, v13, _ =	vpop (xrf1);
	[tilespmem:s1+$0xFFFFFFF0] =	vst.msk $0xff, v7;
	(xrf1) =	vsort.dscd.msk.f32 $0xffff, v6, v10;
	v7 =	vmov v16  }
0x199: {  	v24 =	vperm.xlane v12, v4;
	v10 =	vperm.xlane v13, v4;
	v12, v13, _ =	vpop (xrf1);
	v16 =	vld [tilespmem:s2+$0x0]  }
0x19a: {  	s2 =	sor.u32 $0x70, s6;
	v25 =	vperm.xlane v12, v4;
	v13 =	vperm.xlane v13, v4;
	v18 =	vpop (erf)  }
0x19b: {  	v22 =	vsel vm0, v19, v24;
	v10 =	vsel vm0, v20, v10;
	v19, v20, _ =	vpop (xrf1);
	v21 =	vld [tilespmem:s2+$0x0];
	v23 =	vmul.f32 v18, v14  }
0x19c: {  	s2 =	sor.u32 $0x60, s6;
	v18 =	vsel vm0, v19, v25;
	v13 =	vsel vm0, v20, v13;
	(xrf1) =	vsort.dscd.msk.f32 $0xffff, v22, v10;
	v6, _, _ =	vpop (xrf0)  }
0x19d: {  	(xrf1) =	vsort.dscd.msk.f32 $0xffff, v18, v13;
	v10 =	vld [tilespmem:s2+$0x0];
	[tilespmem:s19+$0xFFFFFFF8] =	vst.msk $0xff, v23;
	v12 =	vpop (erf)  }
0x19e: {  	v13 =	vld [tilespmem:s24+$0xFFFFFFC0];
	(xrf1) =	vsort.dscd.msk.f32 $0xffff, v16, v1;
	[tilespmem:s21+$0xFFFFFFF8] =	vst.msk $0xff, v9;
	v14, v9, _ =	vpop (xrf1)  }
0x19f: {  	v12 =	vmul.f32 v12, v17;
	(xrf0) =	vmax.scan.msk.f32 $0xffff, v14;
	v16 =	vld [tilespmem:s20+$0x30];
	v17 =	vpop (erf)  }
0x1a0: {  	v6 =	vbroadcast v6, $0xF;
	(xrf1) =	vsort.dscd.msk.f32 $0xffff, v21, v3;
	v18 =	vld [tilespmem:s20+$0x10];
	v19, v20, _ =	vpop (xrf1);
	v11 =	vmul.f32 v17, v11  }
0x1a1: {  	v17 =	vld [tilespmem:s20+$0x20];
	(xrf0) =	vmax.scan.msk.f32 $0xffff, v19;
	[tilespmem:s15+$0x0] =	vst.msk $0xff, v12  }
0x1a2: {  	v12 =	vsub.f32 v15, v6;
	(xrf1) =	vsort.dscd.msk.f32 $0xffff, v10, v2;
	[tilespmem:s11+$0x8] =	vst.msk $0xff, v11;
	s11 =	smov.u32 s13;
	s13 =	smov.u32 s15;
	s15 =	smov.u32 s18  }
0x1a3: {  	s18 =	smov.u32 s19;
	s19 =	smov.u32 s28;
	s28 =	smov.u32 s0;
	(xrf1) =	vsort.dscd.msk.f32 $0xffff, v13, v0;
	v10 =	vld [tilespmem:s20+$0x0];
	[tilespmem:s12+$0x8] =	vst.msk $0xff, v5  }
0x1a4: {  	s2 =	sor.u32 $0x70, s3;
	v13 =	vmul.f32 $1.442695020e+00, v12;
	s12 =	smov.u32 s14;
	s14 =	smov.u32 s16;
	(xrf1) =	vsort.dscd.msk.f32 $0xffff, v16, v3;
	[tilespmem:s16+$0x0] =	vst.msk $0xff, v8;
	v8 =	vmov v20  }
0x1a5: {  	s6 =	sor.u32 $0x50, s3;
	s16 =	smov.u32 s17;
	s17 =	smov.u32 s21;
	v6, _, _ =	vpop (xrf0);
	(xrf1) =	vsort.dscd.msk.f32 $0xffff, v18, v1;
	v12 =	vld [tilespmem:s2+$0x0]  }
0x1a6: {  	s2 =	sor.u32 $0x60, s3;
	s3 =	smov.u32 s8;
	s8 =	smov.u32 s31;
	(erf) = vpow2.f32 v13;
	v18 =	vbroadcast v6, $0xF;
	(xrf1) =	vsort.dscd.msk.f32 $0xffff, v17, v2;
	v15 =	vld [tilespmem:s6+$0x0];
	v16, v5, _ =	vpop (xrf1)  }
0x1a7: {  	s21 =	smov.u32 s29;
	s31 =	smov.u32 s30;
	s30 =	smov.u32 s4;
	v11, _, _ =	vpop (xrf0);
	v17 =	vld [tilespmem:s2+$0x0];
	(xrf0) =	vmax.scan.msk.f32 $0xffff, v16  }
0x1a8: {  	s29 =	smov.u32 s1;
	v20 =	vsub.f32 v14, v18;
	(xrf1) =	vsort.dscd.msk.f32 $0xffff, v10, v0;
	v10 =	vbroadcast v11, $0xF  }
0x1a9: {  	v14 =	vld [tilespmem:s25+$0x40];
	s25 =	smov.u32 s23;
	s23 =	smov.u32 s20;
	s20 =	smov.u32 s22  }
0x1aa: {  	s22 =	smov.u32 s24;
	s24 =	smov.u32 s26;
	s26 =	smov.u32 s5;
	v11, v6, _ =	vpop (xrf1);
	v18 =	vmul.f32 $1.442695020e+00, v20;
	v10 =	vsub.f32 v19, v10;
	(xrf1) =	vsort.dscd.msk.f32 $0xffff, v12, v3  }
0x1ab: {  	v13, v12, _ =	vpop (xrf1);
	(xrf1) =	vsort.dscd.msk.f32 $0xffff, v15, v1  }
0x1ac: {  	s9 =	sadd.s32 $0x4, s9;
	v15, v19, _ =	vpop (xrf1);
	(erf) = vpow2.f32 v18;
	v23 =	vmul.f32 $1.442695020e+00, v10;
	(xrf1) =	vsort.dscd.msk.f32 $0xffff, v17, v2  }
0x1ad: {  	p0 =	slt.u32 s9, $0x3FC;
	v17, _, _ =	vpop (xrf0)  }
0x1ae: {  	v18, v20, _ =	vpop (xrf1);
	(erf) = vpow2.f32 v23;
	(xrf1) =	vsort.dscd.msk.f32 $0xffff, v14, v0;
	v14 =	vbroadcast v17, $0xF  }
.Ltmp0:
0x1af: {  	v10 =	vpop (erf);
	v24 =	vperm.xlane v18, v4;
	v23 =	vperm.xlane v20, v4;
	(pc) =	sbr.rel @p0 .LBB2_2-.Ltmp0, $4  }
0x1b0: {  	v15 =	vperm.xlane v15, v4;
	v10 =	vnsel vm0, $0x0, v10;
	v22, v21, _ =	vpop (xrf1);
	v14 =	vsub.f32 v16, v14  }
0x1b1: {  	v16 =	vperm.xlane v19, v4;
	(xrf2) =	vadd.scan.msk.f32 $0xffff, v10;
	v22 =	vsel vm0, v22, v24;
	v21 =	vsel vm0, v21, v23;
	v19, v20, _ =	vpop (xrf1)  }
0x1b2: {  	v15 =	vsel vm0, v19, v15;
	(xrf1) =	vsort.dscd.msk.f32 $0xffff, v22, v21;
	v17, v18, _ =	vpop (xrf1);
	v14 =	vmul.f32 $1.442695020e+00, v14  }
0x1b3: {  	s5 =	sadd.s32 $0x100, s5;
	v19 =	vsel vm0, v20, v16;
	v16 =	vperm.xlane v17, v4;
	v17 =	vperm.xlane v18, v4;
	v20, v18, _ =	vpop (xrf1)  }
0x1b4: {  	_ = 	snop  }
0x1b5: {  	v21, v22, _ =	vpop (xrf1);
	v18 =	vperm.xlane v18, v4  }
0x1b6: {  	v27, v28, _ =	vpop (xrf1)  }
0x1b7: {  	(xrf1) =	vsort.dscd.msk.f32 $0xffff, v15, v19;
	v18 =	vsel vm0, v28, v18  }
0x1b8: {  	v26 =	vperm.xlane v20, v4;
	v25 =	vpop (erf);
	v16 =	vsel vm0, v21, v16;
	v17 =	vsel vm0, v22, v17  }
0x1b9: {  	v15 =	vnsel vm0, $0x0, v25;
	(xrf1) =	vsort.dscd.msk.f32 $0xffff, v16, v17;
	v19, v20, _ =	vpop (xrf1)  }
0x1ba: {  	(xrf2) =	vadd.scan.msk.f32 $0xffff, v15;
	v30 =	vsel vm0, v27, v26;
	v19 =	vperm.xlane v19, v4;
	v20 =	vperm.xlane v20, v4;
	v32, v31, _ =	vpop (xrf1)  }
0x1bb: {  	v13 =	vperm.xlane v13, v4;
	v12 =	vperm.xlane v12, v4;
	(xrf1) =	vsort.dscd.msk.f32 $0xffff, v30, v18;
	v17, v18, _ =	vpop (xrf1)  }
0x1bc: {  	v17 =	vsel vm0, v17, v19;
	v18 =	vsel vm0, v18, v20  }
0x1bd: {  	v11 =	vsel vm0, v11, v13;
	v6 =	vsel vm0, v6, v12;
	v33, _, _ =	vpop (xrf2);
	(xrf1) =	vsort.dscd.msk.f32 $0xffff, v17, v18  }
0x1be: {  	(erf) = vpow2.f32 v14;
	v29 =	vpop (erf);
	(xrf1) =	vsort.dscd.msk.f32 $0xffff, v11, v6;
	v6 =	vbroadcast v33, $0xF  }
0x1bf: {  	v16 =	vnsel vm0, $0x0, v29;
	v34 =	vperm.xlane v32, v4;
	v35 =	vperm.xlane v31, v4  }
0x1c0: {  	(xrf2) =	vadd.scan.msk.f32 $0xffff, v16;
	v36, v37, _ =	vpop (xrf1);
	(erf) = vrcp.f32 v6  }
0x1c1: {  	v38 =	vsel vm0, v37, v35;
	v6 =	vsel vm0, v36, v34  }
0x1c2: {  	(xrf1) =	vsort.dscd.msk.f32 $0xffff, v6, v38;
	_ =	sdelay $0x1  }
0x1c3: {  	v6, v11, _ =	vpop (xrf1)  }
0x1c4: {  	v39, _, _ =	vpop (xrf2);
	v6 =	vperm.xlane v6, v4;
	v11 =	vperm.xlane v11, v4  }
0x1c5: {  	v12 =	vbroadcast v39, $0xF;
	v40, v41, _ =	vpop (xrf1)  }
0x1c6: {  	v42 =	vpop (erf);
	v13 =	vsel vm0, v40, v6;
	v11 =	vsel vm0, v41, v11  }
0x1c7: {  	(erf) = vrcp.f32 v12;
	v44, v43, _ =	vpop (xrf1);
	v6 =	vnsel vm0, $0x0, v42;
	(xrf1) =	vsort.dscd.msk.f32 $0xffff, v13, v11  }
0x1c8: {  	v45 =	vperm.xlane v44, v4;
	(xrf2) =	vadd.scan.msk.f32 $0xffff, v6;
	v48 =	vpop (erf)  }
0x1c9: {  	v46, _, _ =	vpop (xrf2);
	v47 =	vperm.xlane v43, v4;
	v14 =	vmul.f32 v48, v10  }
0x1ca: {  	s9 =	sadd.s32 $0x100, s4;
	s0 =	sadd.s32 $0x20, s0;
	v50, v49, _ =	vpop (xrf1)  }
0x1cb: {  	s1 =	sadd.s32 $0x20, s1;
	s2 =	sadd.s32 $0xFFFFFF80, s9;
	v12 =	vbroadcast v46, $0xF;
	v51 =	vsel vm0, v50, v45;
	v52 =	vsel vm0, v49, v47;
	v54, v53, _ =	vpop (xrf1);
	[tilespmem:s0+$0xFFFFFFF0] =	vst.msk $0xff, v14  }
0x1cc: {  	s6 =	sor.u32 $0x50, s2;
	(xrf1) =	vsort.dscd.msk.f32 $0xffff, v51, v52;
	v17, v10, _ =	vpop (xrf1);
	[tilespmem:s1+$0xFFFFFFF0] =	vst.msk $0xff, v7  }
0x1cd: {  	s5 =	sor.u32 $0x70, s2;
	(erf) = vrcp.f32 v12;
	(xrf0) =	vmax.scan.msk.f32 $0xffff, v17;
	v7 =	vld [tilespmem:s6+$0x0]  }
0x1ce: {  	v55 =	vperm.xlane v54, v4;
	v56 =	vperm.xlane v53, v4;
	v14 =	vld [tilespmem:s5+$0x0]  }
0x1cf: {  	v59, v58, _ =	vpop (xrf1)  }
0x1d0: {  	v57 =	vpop (erf);
	v11 =	vsel vm0, v59, v55;
	v12 =	vsel vm0, v58, v56  }
0x1d1: {  	s2 =	sor.u32 $0x60, s2;
	v13 =	vmul.f32 v57, v15;
	(xrf1) =	vsort.dscd.msk.f32 $0xffff, v11, v12  }
0x1d2: {  	v61 =	vld [tilespmem:s2+$0x0];
	v60, _, _ =	vpop (xrf2);
	(xrf1) =	vsort.dscd.msk.f32 $0xffff, v7, v1  }
0x1d3: {  	v63 =	vld [tilespmem:s24+$0xFFFFFFC0];
	[tilespmem:s19+$0xFFFFFFF8] =	vst.msk $0xff, v13;
	v62, _, _ =	vpop (xrf0);
	v7 =	vbroadcast v60, $0xF;
	(xrf1) =	vsort.dscd.msk.f32 $0xffff, v14, v3  }
0x1d4: {  	[tilespmem:s21+$0xFFFFFFF8] =	vst.msk $0xff, v9;
	v13 =	vbroadcast v62, $0xF  }
0x1d5: {  	v22 =	vld [tilespmem:s20+$0x30];
	v23, v11, _ =	vpop (xrf1);
	(erf) = vrcp.f32 v7  }
0x1d6: {  	v21 =	vpop (erf);
	v24 =	vld [tilespmem:s20+$0x10];
	(xrf0) =	vmax.scan.msk.f32 $0xffff, v23;
	v13 =	vsub.f32 v17, v13  }
0x1d7: {  	v7 =	vmul.f32 v21, v16;
	(xrf1) =	vsort.dscd.msk.f32 $0xffff, v61, v2  }
0x1d8: {  	v25 =	vld [tilespmem:s20+$0x20];
	(xrf1) =	vsort.dscd.msk.f32 $0xffff, v63, v0;
	v13 =	vmul.f32 $1.442695020e+00, v13  }
0x1d9: {  	[tilespmem:s15+$0x0] =	vst.msk $0xff, v7  }
0x1da: {  	s6 =	sor.u32 $0x70, s3;
	v7 =	vld [tilespmem:s20+$0x0];
	(xrf1) =	vsort.dscd.msk.f32 $0xffff, v22, v3;
	[tilespmem:s16+$0x0] =	vst.msk $0xff, v8;
	(erf) = vpow2.f32 v13  }
0x1db: {  	s4 =	sor.u32 $0x50, s3;
	(xrf1) =	vsort.dscd.msk.f32 $0xffff, v24, v1;
	v26 =	vld [tilespmem:s6+$0x0];
	v27, v12, _ =	vpop (xrf1)  }
0x1dc: {  	v28 =	vld [tilespmem:s4+$0x0];
	(xrf0) =	vmax.scan.msk.f32 $0xffff, v27;
	v29, _, _ =	vpop (xrf0)  }
0x1dd: {  	s5 =	sor.u32 $0x60, s3;
	(xrf1) =	vsort.dscd.msk.f32 $0xffff, v25, v2;
	v31 =	vbroadcast v29, $0xF  }
0x1de: {  	v30 =	vld [tilespmem:s5+$0x0];
	v8 =	vpop (erf)  }
0x1df: {  	v32 =	vld [tilespmem:s25+$0x40];
	(xrf1) =	vsort.dscd.msk.f32 $0xffff, v7, v0;
	v16 =	vsub.f32 v23, v31;
	v33, v7, _ =	vpop (xrf1)  }
0x1e0: {  	(xrf1) =	vsort.dscd.msk.f32 $0xffff, v26, v3;
	v36, v35, _ =	vpop (xrf1)  }
0x1e1: {  	(xrf1) =	vsort.dscd.msk.f32 $0xffff, v28, v1;
	v34 =	vmul.f32 $1.442695020e+00, v16;
	v39, v38, _ =	vpop (xrf1)  }
0x1e2: {  	v37, _, _ =	vpop (xrf0);
	(xrf0) =	vmax.scan.msk.f32 $0xffff, v33;
	v19 =	vperm.xlane v38, v4  }
0x1e3: {  	(xrf1) =	vsort.dscd.msk.f32 $0xffff, v30, v2;
	v13 =	vbroadcast v37, $0xF;
	(erf) = vpow2.f32 v34;
	v40 =	vpop (erf)  }
0x1e4: {  	(xrf1) =	vsort.dscd.msk.f32 $0xffff, v32, v0;
	v9 =	vperm.xlane v39, v4;
	v41 =	vnsel vm0, $0x0, v40  }
0x1e5: {  	v18 =	vperm.xlane v35, v4;
	v13 =	vsub.f32 v27, v13;
	v43, v42, _ =	vpop (xrf1);
	(xrf2) =	vadd.scan.msk.f32 $0xffff, v41  }
0x1e6: {  	v16 =	vperm.xlane v36, v4;
	v9 =	vsel vm0, v43, v9;
	v44 =	vsel vm0, v42, v19;
	v19, v20, _ =	vpop (xrf1)  }
0x1e7: {  	v13 =	vmul.f32 $1.442695020e+00, v13;
	v18 =	vsel vm0, v20, v18  }
0x1e8: {  	v48, _, _ =	vpop (xrf0);
	(xrf1) =	vsort.dscd.msk.f32 $0xffff, v9, v44;
	v16 =	vsel vm0, v19, v16  }
0x1e9: {  	(erf) = vpow2.f32 v13;
	v50 =	vbroadcast v48, $0xF;
	v9, v17, _ =	vpop (xrf1);
	(xrf1) =	vsort.dscd.msk.f32 $0xffff, v16, v18  }
0x1ea: {  	v9 =	vperm.xlane v9, v4;
	v17 =	vperm.xlane v17, v4;
	v45, v46, _ =	vpop (xrf1)  }
0x1eb: {  	v14 =	vsub.f32 v33, v50;
	v47 =	vperm.xlane v45, v4;
	v16, v18, _ =	vpop (xrf1)  }
0x1ec: {  	v20 =	vperm.xlane v46, v4;
	v53 =	vpop (erf);
	v9 =	vsel vm0, v16, v9;
	v49 =	vsel vm0, v18, v17  }
0x1ed: {  	v14 =	vmul.f32 $1.442695020e+00, v14;
	v51, v52, _ =	vpop (xrf1);
	v55 =	vnsel vm0, $0x0, v53;
	(xrf1) =	vsort.dscd.msk.f32 $0xffff, v9, v49  }
0x1ee: {  	v13 =	vsel vm0, v51, v47;
	v54 =	vsel vm0, v52, v20;
	v56, v57, _ =	vpop (xrf1);
	(xrf2) =	vadd.scan.msk.f32 $0xffff, v55  }
0x1ef: {  	(erf) = vpow2.f32 v14;
	(xrf1) =	vsort.dscd.msk.f32 $0xffff, v13, v54;
	v9 =	vperm.xlane v56, v4;
	v60, _, _ =	vpop (xrf2)  }
0x1f0: {  	v13 =	vperm.xlane v57, v4;
	v59, v58, _ =	vpop (xrf1);
	v63 =	vbroadcast v60, $0xF  }
0x1f1: {  	v16 =	vperm.xlane v59, v4;
	v19, v20, _ =	vpop (xrf1);
	v18 =	vperm.xlane v58, v4  }
0x1f2: {  	v9 =	vsel vm0, v19, v9;
	v13 =	vsel vm0, v20, v13;
	v20 =	vpop (erf);
	(erf) = vrcp.f32 v63  }
0x1f3: {  	v62, v61, _ =	vpop (xrf1);
	(xrf1) =	vsort.dscd.msk.f32 $0xffff, v9, v13;
	v13 =	vnsel vm0, $0x0, v20  }
0x1f4: {  	v14 =	vsel vm0, v62, v16;
	v21 =	vsel vm0, v61, v18;
	(xrf2) =	vadd.scan.msk.f32 $0xffff, v13  }
0x1f5: {  	(xrf1) =	vsort.dscd.msk.f32 $0xffff, v14, v21  }
0x1f6: {  	v23, v22, _ =	vpop (xrf1)  }
0x1f7: {  	v9 =	vperm.xlane v23, v4;
	v14 =	vperm.xlane v22, v4;
	v24, v18, _ =	vpop (xrf1)  }
0x1f8: {  	v25, _, _ =	vpop (xrf2)  }
0x1f9: {  	v9 =	vsel vm0, v24, v9;
	v14 =	vsel vm0, v18, v14;
	v26 =	vbroadcast v25, $0xF  }
0x1fa: {  	v29 =	vpop (erf);
	(xrf1) =	vsort.dscd.msk.f32 $0xffff, v9, v14  }
0x1fb: {  	(erf) = vrcp.f32 v26;
	v35 =	vpop (erf)  }
0x1fc: {  	v27, v28, _ =	vpop (xrf1);
	v36 =	vmul.f32 v35, v41  }
0x1fd: {  	v30 =	vperm.xlane v27, v4;
	v31 =	vperm.xlane v28, v4;
	v33, v32, _ =	vpop (xrf1)  }
0x1fe: {  	s4 =	sadd.s32 $0x100, s9;
	s25 =	sadd.s32 $0x20, s0;
	v37, _, _ =	vpop (xrf2)  }
0x1ff: {  	s3 =	sadd.s32 $0x20, s1;
	s2 =	sadd.s32 $0xFFFFFF80, s4;
	v15 =	vbroadcast v37, $0xF;
	[tilespmem:s25+$0xFFFFFFF0] =	vst.msk $0xff, v36;
	v14 =	vsel vm0, v33, v30;
	v34 =	vsel vm0, v32, v31  }
0x200: {  	s5 =	sor.u32 $0x50, s2;
	[tilespmem:s3+$0xFFFFFFF0] =	vst.msk $0xff, v10;
	(xrf1) =	vsort.dscd.msk.f32 $0xffff, v14, v34  }
0x201: {  	s6 =	sor.u32 $0x70, s2;
	v38, v39, _ =	vpop (xrf1);
	v10 =	vld [tilespmem:s5+$0x0];
	(erf) = vrcp.f32 v15  }
0x202: {  	v44 =	vld [tilespmem:s6+$0x0];
	v40 =	vperm.xlane v38, v4;
	v41 =	vperm.xlane v39, v4  }
0x203: {  	v43, v42, _ =	vpop (xrf1)  }
0x204: {  	s2 =	sor.u32 $0x60, s2;
	v14 =	vsel vm0, v43, v40;
	v45 =	vsel vm0, v42, v41;
	v47 =	vpop (erf)  }
0x205: {  	v46 =	vld [tilespmem:s2+$0x0];
	(xrf1) =	vsort.dscd.msk.f32 $0xffff, v14, v45;
	v48 =	vmul.f32 v47, v55  }
0x206: {  	(xrf1) =	vsort.dscd.msk.f32 $0xffff, v10, v1  }
0x207: {  	v9 =	vnsel vm0, $0x0, v29;
	v49 =	vld [tilespmem:s26+$0xFFFFFFC0];
	(xrf1) =	vsort.dscd.msk.f32 $0xffff, v44, v3;
	[tilespmem:s28+$0xFFFFFFF8] =	vst.msk $0xff, v48  }
0x208: {  	(xrf2) =	vadd.scan.msk.f32 $0xffff, v9;
	v50, v14, _ =	vpop (xrf1);
	[tilespmem:s29+$0xFFFFFFF8] =	vst.msk $0xff, v11  }
0x209: {  	(xrf0) =	vmax.scan.msk.f32 $0xffff, v50;
	v11 =	vld [tilespmem:s22+$0x30]  }
0x20a: {  	(xrf1) =	vsort.dscd.msk.f32 $0xffff, v46, v2  }
0x20b: {  	v51 =	vpop (erf);
	v52 =	vld [tilespmem:s22+$0x10]  }
0x20c: {  	(xrf1) =	vsort.dscd.msk.f32 $0xffff, v49, v0;
	v10 =	vmul.f32 v51, v13  }
0x20d: {  	v54 =	vld [tilespmem:s22+$0x20]  }
0x20e: {  	v55 =	vld [tilespmem:s22+$0x0];
	[tilespmem:s18+$0x0] =	vst.msk $0xff, v10;
	v53, v13, _ =	vpop (xrf1);
	(xrf1) =	vsort.dscd.msk.f32 $0xffff, v11, v3  }
0x20f: {  	s5 =	sor.u32 $0x70, s8;
	[tilespmem:s17+$0x0] =	vst.msk $0xff, v12;
	v56, _, _ =	vpop (xrf0);
	(xrf0) =	vmax.scan.msk.f32 $0xffff, v53  }
0x210: {  	s6 =	sor.u32 $0x50, s8;
	v12 =	vld [tilespmem:s5+$0x0];
	v58 =	vbroadcast v56, $0xF;
	(xrf1) =	vsort.dscd.msk.f32 $0xffff, v52, v1  }
0x211: {  	s8 =	sor.u32 $0x60, s8;
	v59 =	vld [tilespmem:s6+$0x0]  }
0x212: {  	v57, _, _ =	vpop (xrf2);
	v60 =	vld [tilespmem:s8+$0x0];
	(xrf1) =	vsort.dscd.msk.f32 $0xffff, v54, v2;
	v11 =	vsub.f32 v50, v58  }
0x213: {  	v20 =	vbroadcast v57, $0xF;
	v63 =	vld [tilespmem:s23+$0x40];
	(xrf1) =	vsort.dscd.msk.f32 $0xffff, v55, v0;
	v61, v10, _ =	vpop (xrf1)  }
0x214: {  	(xrf0) =	vmax.scan.msk.f32 $0xffff, v61;
	v11 =	vmul.f32 $1.442695020e+00, v11;
	v25, v24, _ =	vpop (xrf1)  }
0x215: {  	(erf) = vrcp.f32 v20;
	(xrf1) =	vsort.dscd.msk.f32 $0xffff, v12, v3;
	v27, v26, _ =	vpop (xrf1)  }
0x216: {  	(xrf1) =	vsort.dscd.msk.f32 $0xffff, v59, v1;
	v62, _, _ =	vpop (xrf0);
	(erf) = vpow2.f32 v11;
	v11 =	vperm.xlane v27, v4  }
0x217: {  	(xrf1) =	vsort.dscd.msk.f32 $0xffff, v60, v2;
	v28 =	vperm.xlane v26, v4;
	v18 =	vbroadcast v62, $0xF  }
0x218: {  	v12 =	vperm.xlane v25, v4;
	v19 =	vperm.xlane v24, v4;
	v29, v30, _ =	vpop (xrf1);
	(xrf1) =	vsort.dscd.msk.f32 $0xffff, v63, v0  }
0x219: {  	v11 =	vsel vm0, v29, v11;
	v15 =	vsel vm0, v30, v28;
	v16 =	vsub.f32 v53, v18  }
0x21a: {  	v32, v31, _ =	vpop (xrf1);
	(xrf1) =	vsort.dscd.msk.f32 $0xffff, v11, v15  }
0x21b: {  	v12 =	vsel vm0, v32, v12;
	v33 =	vsel vm0, v31, v19;
	v16 =	vmul.f32 $1.442695020e+00, v16  }
0x21c: {  	(xrf1) =	vsort.dscd.msk.f32 $0xffff, v12, v33;
	v34, _, _ =	vpop (xrf0)  }
0x21d: {  	(erf) = vpow2.f32 v16;
	v36, v35, _ =	vpop (xrf1)  }
0x21e: {  	v18, v19, _ =	vpop (xrf1)  }
0x21f: {  	v11 =	vpop (erf);
	v16 =	vperm.xlane v35, v4;
	v18 =	vperm.xlane v18, v4  }
0x220: {  	v15 =	vperm.xlane v36, v4;
	v38, v37, _ =	vpop (xrf1)  }
0x221: {  	v39 =	vpop (erf);
	v16 =	vsel vm0, v37, v16  }
0x222: {  	v19 =	vperm.xlane v19, v4;
	v15 =	vsel vm0, v38, v15;
	v40, v41, _ =	vpop (xrf1)  }
0x223: {  	v22 =	vnsel vm0, $0x0, v39;
	(xrf1) =	vsort.dscd.msk.f32 $0xffff, v15, v16;
	v46, v45, _ =	vpop (xrf1)  }
0x224: {  	v43 =	vsel vm0, v40, v18;
	v44 =	vsel vm0, v41, v19;
	(xrf2) =	vadd.scan.msk.f32 $0xffff, v22;
	v16, v18, _ =	vpop (xrf1)  }
0x225: {  	(xrf1) =	vsort.dscd.msk.f32 $0xffff, v43, v44;
	v49, v48, _ =	vpop (xrf1)  }
0x226: {  	v47 =	vperm.xlane v46, v4;
	v20 =	vperm.xlane v45, v4;
	v42 =	vpop (erf)  }
0x227: {  	v12 =	vbroadcast v34, $0xF;
	v16 =	vperm.xlane v16, v4;
	v23, v24, _ =	vpop (xrf1)  }
0x228: {  	v18 =	vperm.xlane v18, v4;
	v17 =	vsel vm0, v49, v47;
	v20 =	vsel vm0, v48, v20;
	v50, v25, _ =	vpop (xrf1)  }
0x229: {  	v15 =	vnsel vm0, $0x0, v42;
	(xrf1) =	vsort.dscd.msk.f32 $0xffff, v17, v20;
	v19 =	vperm.xlane v50, v4;
	v51 =	vperm.xlane v25, v4  }
0x22a: {  	v12 =	vsub.f32 v61, v12;
	v16 =	vsel vm0, v23, v16;
	v52 =	vsel vm0, v24, v18;
	(xrf2) =	vadd.scan.msk.f32 $0xffff, v15;
	v54, v53, _ =	vpop (xrf1)  }
0x22b: {  	(xrf1) =	vsort.dscd.msk.f32 $0xffff, v16, v52;
	v55 =	vsel vm0, v54, v19;
	v56 =	vsel vm0, v53, v51  }
0x22c: {  	v12 =	vmul.f32 $1.442695020e+00, v12;
	(xrf1) =	vsort.dscd.msk.f32 $0xffff, v55, v56;
	_ =	sdelay $0x1  }
0x22d: {  	(erf) = vpow2.f32 v12  }
0x22e: {  	v59, _, _ =	vpop (xrf2)  }
0x22f: {  	v17 =	vbroadcast v59, $0xF;
	_ =	sdelay $0x1  }
0x230: {  	(erf) = vrcp.f32 v17;
	v58, v57, _ =	vpop (xrf1)  }
0x231: {  	v12 =	vperm.xlane v58, v4;
	v16 =	vperm.xlane v57, v4;
	v18, v19, _ =	vpop (xrf1)  }
0x232: {  	v60, _, _ =	vpop (xrf2)  }
0x233: {  	v12 =	vsel vm0, v18, v12;
	v16 =	vsel vm0, v19, v16;
	v62 =	vbroadcast v60, $0xF  }
0x234: {  	(xrf1) =	vsort.dscd.msk.f32 $0xffff, v12, v16  }
0x235: {  	v61 =	vpop (erf);
	(erf) = vrcp.f32 v62  }
0x236: {  	v12 =	vnsel vm0, $0x0, v61;
	v63, v24, _ =	vpop (xrf1)  }
0x237: {  	(xrf2) =	vadd.scan.msk.f32 $0xffff, v12;
	v25, v26, _ =	vpop (xrf1)  }
0x238: {  	v20, v21, _ =	vpop (xrf1)  }
0x239: {  	v18 =	vperm.xlane v63, v4;
	v19 =	vperm.xlane v24, v4;
	(xrf0) =	vmax.scan.msk.f32 $0xffff, v20  }
0x23a: {  	v27 =	vpop (erf)  }
0x23b: {  	v16 =	vsel vm0, v25, v18;
	v17 =	vsel vm0, v26, v19;
	v28 =	vmul.f32 v27, v22  }
0x23c: {  	(xrf1) =	vsort.dscd.msk.f32 $0xffff, v16, v17  }
0x23d: {  	[tilespmem:s0+$0xFFFFFFF8] =	vst.msk $0xff, v28  }
0x23e: {  	[tilespmem:s1+$0xFFFFFFF8] =	vst.msk $0xff, v14;
	v30 =	vpop (erf)  }
0x23f: {  	v32 =	vld [tilespmem:s24+$0x30];
	v29, _, _ =	vpop (xrf0)  }
0x240: {  	v35 =	vld [tilespmem:s24+$0x10];
	v15 =	vmul.f32 v30, v15;
	v31 =	vbroadcast v29, $0xF  }
0x241: {  	v37 =	vld [tilespmem:s24+$0x20];
	v34, _, _ =	vpop (xrf2)  }
0x242: {  	v33, v19, _ =	vpop (xrf1);
	[tilespmem:s19+$0x0] =	vst.msk $0xff, v15;
	v14 =	vsub.f32 v20, v31  }
0x243: {  	s5 =	sor.u32 $0x70, s31;
	v38 =	vld [tilespmem:s24+$0x0];
	v36 =	vbroadcast v34, $0xF;
	(xrf0) =	vmax.scan.msk.f32 $0xffff, v33;
	[tilespmem:s21+$0x0] =	vst.msk $0xff, v13  }
0x244: {  	s6 =	sor.u32 $0x50, s31;
	(xrf1) =	vsort.dscd.msk.f32 $0xffff, v32, v3;
	v13 =	vld [tilespmem:s5+$0x0];
	v14 =	vmul.f32 $1.442695020e+00, v14  }
0x245: {  	(erf) = vrcp.f32 v36;
	(xrf1) =	vsort.dscd.msk.f32 $0xffff, v35, v1;
	v39 =	vld [tilespmem:s6+$0x0]  }
0x246: {  	s8 =	sor.u32 $0x60, s31;
	(xrf1) =	vsort.dscd.msk.f32 $0xffff, v37, v2;
	(erf) = vpow2.f32 v14  }
0x247: {  	v41 =	vld [tilespmem:s8+$0x0]  }
0x248: {  	(xrf1) =	vsort.dscd.msk.f32 $0xffff, v38, v0  }
0x249: {  	v40, _, _ =	vpop (xrf0);
	(xrf1) =	vsort.dscd.msk.f32 $0xffff, v13, v3  }
0x24a: {  	v44, v13, _ =	vpop (xrf1);
	v42 =	vbroadcast v40, $0xF;
	(xrf1) =	vsort.dscd.msk.f32 $0xffff, v39, v1  }
0x24b: {  	v43 =	vld [tilespmem:s20+$0x40];
	(xrf0) =	vmax.scan.msk.f32 $0xffff, v44  }
0x24c: {  	(xrf1) =	vsort.dscd.msk.f32 $0xffff, v41, v2;
	v15 =	vsub.f32 v33, v42;
	_ =	sdelay $0x1  }
0x24d: {  	v14 =	vpop (erf);
	v15 =	vmul.f32 $1.442695020e+00, v15  }
0x24e: {  	v45 =	vpop (erf)  }
0x24f: {  	(xrf1) =	vsort.dscd.msk.f32 $0xffff, v43, v0;
	(erf) = vpow2.f32 v15;
	v15 =	vnsel vm0, $0x0, v45  }
0x250: {  	v46, _, _ =	vpop (xrf0);
	(xrf2) =	vadd.scan.msk.f32 $0xffff, v15  }
0x251: {  	v48, v47, _ =	vpop (xrf1)  }
0x252: {  	v50, v49, _ =	vpop (xrf1);
	v17 =	vperm.xlane v48, v4;
	v20 =	vperm.xlane v47, v4  }
0x253: {  	v52, v51, _ =	vpop (xrf1)  }
0x254: {  	v16 =	vbroadcast v46, $0xF;
	v17 =	vsel vm0, v52, v17  }
0x255: {  	v53, v26, _ =	vpop (xrf1)  }
0x256: {  	v22 =	vperm.xlane v50, v4;
	v16 =	vsub.f32 v44, v16;
	v54 =	vsel vm0, v51, v20;
	v20, v24, _ =	vpop (xrf1)  }
0x257: {  	v23 =	vperm.xlane v49, v4;
	(xrf1) =	vsort.dscd.msk.f32 $0xffff, v17, v54;
	v17, v18, _ =	vpop (xrf1)  }
0x258: {  	v55 =	vsel vm0, v53, v22;
	v16 =	vmul.f32 $1.442695020e+00, v16;
	v27 =	vpop (erf)  }
0x259: {  	v56 =	vsel vm0, v26, v23;
	v20 =	vperm.xlane v20, v4;
	v57 =	vperm.xlane v24, v4;
	v61, v60, _ =	vpop (xrf1)  }
0x25a: {  	(xrf1) =	vsort.dscd.msk.f32 $0xffff, v55, v56;
	(erf) = vpow2.f32 v16;
	v58, _, _ =	vpop (xrf2)  }
0x25b: {  	v20 =	vsel vm0, v61, v20;
	v62 =	vsel vm0, v60, v57;
	v24 =	vbroadcast v58, $0xF  }
0x25c: {  	v17 =	vperm.xlane v17, v4;
	v18 =	vperm.xlane v18, v4;
	v59 =	vnsel vm0, $0x0, v27;
	(xrf1) =	vsort.dscd.msk.f32 $0xffff, v20, v62  }
0x25d: {  	v23, v25, _ =	vpop (xrf1);
	(xrf2) =	vadd.scan.msk.f32 $0xffff, v59;
	(erf) = vrcp.f32 v24  }
0x25e: {  	v17 =	vsel vm0, v23, v17;
	v18 =	vsel vm0, v25, v18  }
0x25f: {  	(xrf1) =	vsort.dscd.msk.f32 $0xffff, v17, v18;
	_ =	sdelay $0x4  }
0x260: {  	v63 =	vpop (erf)  }
0x261: {  	v28, v27, _ =	vpop (xrf1)  }
0x262: {  	v25 =	vpop (erf)  }
0x263: {  	v18 =	vperm.xlane v28, v4;
	v26, _, _ =	vpop (xrf2);
	v15 =	vmul.f32 v25, v15  }
0x264: {  	v29 =	vperm.xlane v27, v4;
	v31, v30, _ =	vpop (xrf1);
	v20 =	vbroadcast v26, $0xF  }
0x265: {  	v18 =	vsel vm0, v31, v18;
	[tilespmem:s25+$0xFFFFFFF8] =	vst.msk $0xff, v15  }
0x266: {  	(erf) = vrcp.f32 v20;
	v15 =	vsel vm0, v30, v29;
	[tilespmem:s3+$0xFFFFFFF8] =	vst.msk $0xff, v21  }
0x267: {  	v32, v33, _ =	vpop (xrf1);
	v34 =	vld [tilespmem:s26+$0x30]  }
0x268: {  	v20 =	vperm.xlane v32, v4;
	v21 =	vperm.xlane v33, v4;
	v35 =	vld [tilespmem:s26+$0x10]  }
0x269: {  	(xrf1) =	vsort.dscd.msk.f32 $0xffff, v18, v15;
	v36 =	vld [tilespmem:s26+$0x20];
	v15, v18, _ =	vpop (xrf1)  }
0x26a: {  	v15 =	vsel vm0, v15, v20;
	v18 =	vsel vm0, v18, v21  }
0x26b: {  	v37 =	vld [tilespmem:s26+$0x0];
	(xrf1) =	vsort.dscd.msk.f32 $0xffff, v15, v18  }
0x26c: {  	(xrf1) =	vsort.dscd.msk.f32 $0xffff, v34, v3  }
0x26d: {  	(xrf1) =	vsort.dscd.msk.f32 $0xffff, v35, v1  }
0x26e: {  	(xrf1) =	vsort.dscd.msk.f32 $0xffff, v36, v2  }
0x26f: {  	v38 =	vpop (erf)  }
0x270: {  	v16 =	vmul.f32 v38, v59;
	(xrf1) =	vsort.dscd.msk.f32 $0xffff, v37, v0;
	_ =	sdelay $0x1  }
0x271: {  	[tilespmem:s28+$0x0] =	vst.msk $0xff, v16  }
0x272: {  	s23 =	sor.u32 $0x70, s30;
	[tilespmem:s29+$0x0] =	vst.msk $0xff, v19  }
0x273: {  	s31 =	sor.u32 $0x50, s30;
	v39 =	vld [tilespmem:s23+$0x0]  }
0x274: {  	s5 =	sor.u32 $0x60, s30;
	v19 =	vld [tilespmem:s31+$0x0]  }
0x275: {  	v16 =	vnsel vm0, $0x0, v63;
	v40 =	vld [tilespmem:s5+$0x0]  }
0x276: {  	(xrf2) =	vadd.scan.msk.f32 $0xffff, v16;
	v42 =	vld [tilespmem:s22+$0x40];
	v41, v21, _ =	vpop (xrf1)  }
0x277: {  	(xrf0) =	vmax.scan.msk.f32 $0xffff, v41  }
0x278: {  	(xrf1) =	vsort.dscd.msk.f32 $0xffff, v39, v3;
	v43, v15, _ =	vpop (xrf1)  }
0x279: {  	(xrf1) =	vsort.dscd.msk.f32 $0xffff, v19, v1;
	v44, v45, _ =	vpop (xrf1)  }
0x27a: {  	(xrf1) =	vsort.dscd.msk.f32 $0xffff, v40, v2;
	v18 =	vperm.xlane v44, v4;
	v19 =	vperm.xlane v45, v4;
	v47, v46, _ =	vpop (xrf1)  }
0x27b: {  	(xrf1) =	vsort.dscd.msk.f32 $0xffff, v42, v0;
	v20 =	vperm.xlane v47, v4;
	v49, v48, _ =	vpop (xrf1)  }
0x27c: {  	v24 =	vperm.xlane v46, v4;
	v18 =	vsel vm0, v49, v18;
	v19 =	vsel vm0, v48, v19  }
0x27d: {  	v50, v51, _ =	vpop (xrf1);
	(xrf1) =	vsort.dscd.msk.f32 $0xffff, v18, v19  }
0x27e: {  	v52, _, _ =	vpop (xrf0);
	v53 =	vsel vm0, v50, v20;
	v54 =	vsel vm0, v51, v24  }
0x27f: {  	v18 =	vbroadcast v52, $0xF;
	(xrf1) =	vsort.dscd.msk.f32 $0xffff, v53, v54  }
0x280: {  	v55, _, _ =	vpop (xrf2);
	(xrf0) =	vmax.scan.msk.f32 $0xffff, v43  }
0x281: {  	v19 =	vbroadcast v55, $0xF;
	v17 =	vsub.f32 v41, v18;
	_ =	sdelay $0x1  }
0x282: {  	(erf) = vrcp.f32 v19;
	v17 =	vmul.f32 $1.442695020e+00, v17;
	_ =	sdelay $0x1  }
0x283: {  	(erf) = vpow2.f32 v17  }
0x284: {  	v56, _, _ =	vpop (xrf0)  }
0x285: {  	v57, v58, _ =	vpop (xrf1)  }
0x286: {  	v17 =	vbroadcast v56, $0xF;
	v60, v59, _ =	vpop (xrf1)  }
0x287: {  	v18 =	vperm.xlane v57, v4;
	v24, v25, _ =	vpop (xrf1)  }
0x288: {  	v19 =	vperm.xlane v58, v4;
	v23 =	vsub.f32 v43, v17;
	v61, v62, _ =	vpop (xrf1)  }
0x289: {  	v20 =	vperm.xlane v60, v4;
	v22 =	vperm.xlane v59, v4;
	v18 =	vsel vm0, v24, v18;
	v63, v28, _ =	vpop (xrf1)  }
0x28a: {  	v17 =	vpop (erf);
	v19 =	vsel vm0, v25, v19;
	v24 =	vperm.xlane v63, v4;
	v32 =	vperm.xlane v28, v4  }
0x28b: {  	(xrf1) =	vsort.dscd.msk.f32 $0xffff, v18, v19;
	v33 =	vsel vm0, v61, v20;
	v34 =	vsel vm0, v62, v22;
	v35, v36, _ =	vpop (xrf1)  }
0x28c: {  	v23 =	vmul.f32 $1.442695020e+00, v23;
	(xrf1) =	vsort.dscd.msk.f32 $0xffff, v33, v34;
	v37 =	vpop (erf);
	v38 =	vsel vm0, v35, v24;
	v39 =	vsel vm0, v36, v32  }
0x28d: {  	v40 =	vnsel vm0, $0x0, v37;
	(xrf1) =	vsort.dscd.msk.f32 $0xffff, v38, v39  }
0x28e: {  	(erf) = vpow2.f32 v23;
	(xrf2) =	vadd.scan.msk.f32 $0xffff, v40;
	_ =	sdelay $0x8  }
0x28f: {  	v41 =	vpop (erf)  }
0x290: {  	v42, _, _ =	vpop (xrf2)  }
0x291: {  	v43, v44, _ =	vpop (xrf1);
	v19 =	vbroadcast v42, $0xF  }
0x292: {  	v18 =	vnsel vm0, $0x0, v41;
	v45, v46, _ =	vpop (xrf1)  }
0x293: {  	(xrf2) =	vadd.scan.msk.f32 $0xffff, v18;
	(erf) = vrcp.f32 v19;
	v48, v47, _ =	vpop (xrf1)  }
0x294: {  	(xrf0) =	vmax.scan.msk.f32 $0xffff, v48;
	_ =	sdelay $0x1  }
0x295: {  	v22 =	vperm.xlane v43, v4;
	v23 =	vperm.xlane v44, v4;
	_ =	sdelay $0x1  }
0x296: {  	v22 =	vsel vm0, v45, v22;
	v23 =	vsel vm0, v46, v23  }
0x297: {  	(xrf1) =	vsort.dscd.msk.f32 $0xffff, v22, v23  }
0x298: {  	v49, _, _ =	vpop (xrf0)  }
0x299: {  	v22 =	vbroadcast v49, $0xF  }
0x29a: {  	v50 =	vpop (erf)  }
0x29b: {  	v51, _, _ =	vpop (xrf2);
	v20 =	vmul.f32 v50, v40;
	v19 =	vsub.f32 v48, v22  }
0x29c: {  	v52 =	vbroadcast v51, $0xF  }
0x29d: {  	[tilespmem:s0+$0x0] =	vst.msk $0xff, v20;
	v19 =	vmul.f32 $1.442695020e+00, v19  }
0x29e: {  	s6 =	sor.u32 $0x70, s9;
	(erf) = vrcp.f32 v52;
	[tilespmem:s1+$0x0] =	vst.msk $0xff, v21  }
0x29f: {  	s8 =	sor.u32 $0x50, s9;
	v20 =	vld [tilespmem:s6+$0x0];
	(erf) = vpow2.f32 v19  }
0x2a0: {  	v53 =	vld [tilespmem:s8+$0x0]  }
0x2a1: {  	s20 =	sor.u32 $0x60, s9  }
0x2a2: {  	v21 =	vld [tilespmem:s20+$0x0];
	_ =	sdelay $0x1  }
0x2a3: {  	v54 =	vld [tilespmem:s24+$0x40];
	(xrf1) =	vsort.dscd.msk.f32 $0xffff, v20, v3  }
0x2a4: {  	v55, v23, _ =	vpop (xrf1);
	(xrf1) =	vsort.dscd.msk.f32 $0xffff, v53, v1  }
0x2a5: {  	(xrf0) =	vmax.scan.msk.f32 $0xffff, v55  }
0x2a6: {  	v19 =	vpop (erf);
	(xrf1) =	vsort.dscd.msk.f32 $0xffff, v21, v2  }
0x2a7: {  	v56 =	vpop (erf)  }
0x2a8: {  	(xrf1) =	vsort.dscd.msk.f32 $0xffff, v54, v0;
	v21 =	vnsel vm0, $0x0, v56  }
0x2a9: {  	(xrf2) =	vadd.scan.msk.f32 $0xffff, v21;
	_ =	sdelay $0x1  }
0x2aa: {  	v57, _, _ =	vpop (xrf0)  }
0x2ab: {  	v22 =	vbroadcast v57, $0xF;
	_ =	sdelay $0x1  }
0x2ac: {  	v20 =	vsub.f32 v55, v22;
	_ =	sdelay $0x1  }
0x2ad: {  	v20 =	vmul.f32 $1.442695020e+00, v20  }
0x2ae: {  	v59, v58, _ =	vpop (xrf1)  }
0x2af: {  	(erf) = vpow2.f32 v20;
	v61, v60, _ =	vpop (xrf1)  }
0x2b0: {  	v22 =	vperm.xlane v59, v4;
	v24 =	vperm.xlane v58, v4;
	v62, _, _ =	vpop (xrf2)  }
0x2b1: {  	v20 =	vperm.xlane v61, v4;
	v63, v29, _ =	vpop (xrf1);
	v27 =	vbroadcast v62, $0xF  }
0x2b2: {  	v25 =	vperm.xlane v60, v4;
	v22 =	vsel vm0, v63, v22;
	v24 =	vsel vm0, v29, v24  }
0x2b3: {  	v32, v33, _ =	vpop (xrf1);
	(xrf1) =	vsort.dscd.msk.f32 $0xffff, v22, v24;
	(erf) = vrcp.f32 v27  }
0x2b4: {  	v20 =	vsel vm0, v32, v20;
	v34 =	vsel vm0, v33, v25  }
0x2b5: {  	(xrf1) =	vsort.dscd.msk.f32 $0xffff, v20, v34;
	_ =	sdelay $0x5  }
0x2b6: {  	v35 =	vpop (erf)  }
0x2b7: {  	v36 =	vpop (erf)  }
0x2b8: {  	v21 =	vmul.f32 v36, v21;
	_ =	sdelay $0x1  }
0x2b9: {  	[tilespmem:s25+$0x0] =	vst.msk $0xff, v21  }
0x2ba: {  	s22 =	sor.u32 $0x70, s4;
	[tilespmem:s3+$0x0] =	vst.msk $0xff, v47  }
0x2bb: {  	s23 =	sor.u32 $0x50, s4;
	v37, v22, _ =	vpop (xrf1);
	v38 =	vld [tilespmem:s22+$0x0]  }
0x2bc: {  	s24 =	sor.u32 $0x60, s4;
	v21 =	vperm.xlane v37, v4;
	v22 =	vperm.xlane v22, v4;
	v39 =	vld [tilespmem:s23+$0x0]  }
0x2bd: {  	v40, v41, _ =	vpop (xrf1);
	v26 =	vld [tilespmem:s24+$0x0]  }
0x2be: {  	v21 =	vsel vm0, v40, v21;
	v22 =	vsel vm0, v41, v22  }
0x2bf: {  	(xrf1) =	vsort.dscd.msk.f32 $0xffff, v21, v22  }
0x2c0: {  	(xrf1) =	vsort.dscd.msk.f32 $0xffff, v38, v3  }
0x2c1: {  	(xrf1) =	vsort.dscd.msk.f32 $0xffff, v39, v1  }
0x2c2: {  	v42 =	vld [tilespmem:s26+$0x40];
	(xrf1) =	vsort.dscd.msk.f32 $0xffff, v26, v2;
	_ =	sdelay $0x4  }
0x2c3: {  	(xrf1) =	vsort.dscd.msk.f32 $0xffff, v42, v0;
	_ =	sdelay $0x5  }
0x2c4: {  	v43, v22, _ =	vpop (xrf1)  }
0x2c5: {  	v24, v44, _ =	vpop (xrf1)  }
0x2c6: {  	v46, v45, _ =	vpop (xrf1);
	v25 =	vperm.xlane v44, v4  }
0x2c7: {  	v24 =	vperm.xlane v24, v4;
	v48, v47, _ =	vpop (xrf1)  }
0x2c8: {  	v25 =	vsel vm0, v47, v25  }
0x2c9: {  	v24 =	vsel vm0, v48, v24;
	_ =	sdelay $0x1  }
0x2ca: {  	v26 =	vperm.xlane v46, v4;
	v27 =	vperm.xlane v45, v4  }
0x2cb: {  	(xrf1) =	vsort.dscd.msk.f32 $0xffff, v24, v25;
	v24, v25, _ =	vpop (xrf1)  }
0x2cc: {  	v24 =	vsel vm0, v24, v26;
	v25 =	vsel vm0, v25, v27  }
0x2cd: {  	(xrf1) =	vsort.dscd.msk.f32 $0xffff, v24, v25;
	_ =	sdelay $0x2  }
0x2ce: {  	v20 =	vnsel vm0, $0x0, v35  }
0x2cf: {  	(xrf2) =	vadd.scan.msk.f32 $0xffff, v20  }
0x2d0: {  	(xrf0) =	vmax.scan.msk.f32 $0xffff, v43;
	_ =	sdelay $0x5  }
0x2d1: {  	v49, _, _ =	vpop (xrf0)  }
0x2d2: {  	v24 =	vbroadcast v49, $0xF;
	v51, v50, _ =	vpop (xrf1)  }
0x2d3: {  	v25 =	vperm.xlane v51, v4;
	v26 =	vperm.xlane v50, v4  }
0x2d4: {  	v53, v52, _ =	vpop (xrf1)  }
0x2d5: {  	v55, _, _ =	vpop (xrf2);
	v21 =	vsub.f32 v43, v24;
	v54 =	vsel vm0, v53, v25;
	v26 =	vsel vm0, v52, v26  }
0x2d6: {  	v25 =	vbroadcast v55, $0xF;
	(xrf1) =	vsort.dscd.msk.f32 $0xffff, v54, v26  }
0x2d7: {  	v21 =	vmul.f32 $1.442695020e+00, v21  }
0x2d8: {  	(erf) = vrcp.f32 v25  }
0x2d9: {  	(erf) = vpow2.f32 v21;
	_ =	sdelay $0x7  }
0x2da: {  	v56 =	vpop (erf)  }
0x2db: {  	v57 =	vpop (erf)  }
0x2dc: {  	v24 =	vnsel vm0, $0x0, v57  }
0x2dd: {  	(xrf2) =	vadd.scan.msk.f32 $0xffff, v24;
	v58, v26, _ =	vpop (xrf1)  }
0x2de: {  	(xrf0) =	vmax.scan.msk.f32 $0xffff, v58;
	_ =	sdelay $0x5  }
0x2df: {  	v59, _, _ =	vpop (xrf0)  }
0x2e0: {  	v27 =	vbroadcast v59, $0xF;
	_ =	sdelay $0x1  }
0x2e1: {  	v60, _, _ =	vpop (xrf2);
	v25 =	vsub.f32 v58, v27  }
0x2e2: {  	v27 =	vbroadcast v60, $0xF  }
0x2e3: {  	v25 =	vmul.f32 $1.442695020e+00, v25  }
0x2e4: {  	(erf) = vrcp.f32 v27  }
0x2e5: {  	(erf) = vpow2.f32 v25;
	_ =	sdelay $0x7  }
0x2e6: {  	v61 =	vpop (erf)  }
0x2e7: {  	v62 =	vpop (erf)  }
0x2e8: {  	v27 =	vnsel vm0, $0x0, v62  }
0x2e9: {  	(xrf2) =	vadd.scan.msk.f32 $0xffff, v27;
	_ =	sdelay $0x8  }
0x2ea: {  	v6 =	vmul.f32 v8, v6  }
0x2eb: {  	v63, _, _ =	vpop (xrf2)  }
0x2ec: {  	[tilespmem:s11+$0x8] =	vst.msk $0xff, v6;
	v6 =	vmul.f32 v11, v9;
	v8 =	vbroadcast v63, $0xF  }
0x2ed: {  	[tilespmem:s12+$0x8] =	vst.msk $0xff, v5  }
0x2ee: {  	[tilespmem:s13+$0x8] =	vst.msk $0xff, v6;
	v5 =	vmul.f32 v14, v12;
	(erf) = vrcp.f32 v8  }
0x2ef: {  	[tilespmem:s14+$0x8] =	vst.msk $0xff, v7  }
0x2f0: {  	[tilespmem:s15+$0x8] =	vst.msk $0xff, v5;
	v5 =	vmul.f32 v17, v16  }
0x2f1: {  	[tilespmem:s16+$0x8] =	vst.msk $0xff, v10  }
0x2f2: {  	[tilespmem:s18+$0x8] =	vst.msk $0xff, v5;
	v5 =	vmul.f32 v19, v18  }
0x2f3: {  	[tilespmem:s17+$0x8] =	vst.msk $0xff, v13  }
0x2f4: {  	[tilespmem:s19+$0x8] =	vst.msk $0xff, v5;
	v5 =	vmul.f32 v56, v20  }
0x2f5: {  	[tilespmem:s21+$0x8] =	vst.msk $0xff, v15  }
0x2f6: {  	[tilespmem:s28+$0x8] =	vst.msk $0xff, v5;
	v5 =	vmul.f32 v61, v24  }
0x2f7: {  	[tilespmem:s29+$0x8] =	vst.msk $0xff, v23;
	v6 =	vpop (erf)  }
0x2f8: {  	[tilespmem:s0+$0x8] =	vst.msk $0xff, v5;
	v5 =	vmul.f32 v6, v27  }
0x2f9: {  	[tilespmem:s1+$0x8] =	vst.msk $0xff, v22  }
0x2fa: {  	[tilespmem:s25+$0x8] =	vst.msk $0xff, v5  }
0x2fb: {  	[tilespmem:s3+$0x8] =	vst.msk $0xff, v26  }
0x2fc: {  	s8 =	simm.s32 $0x0;
	s28 =	simm.s32 $0x10000;
	s0 =	rddreg [dreg:$0x4]  }
0x2fd: {  	[hbm4b:s0+s8] =	stream.linear.scatter [tilespmem:s28], [sflag:$0x1], $0x2000, $0x38;
	[tilespmem:$0x14100] =	vst v63  }
0x2fe: {  	_ =	swait.ge [sflag:s7], $0x2000  }
0x2ff: {  	[sflag:s7] =	ssyncset.done $0x0  }
0x300: {  	s30 =	simm.s32 $0x12080;
	s29 =	rddreg [dreg:$0x5];
	[sflag:s7] =	ssyncadd.s32 $0xFFFFE000  }
0x301: {  	[hbm4b:s29+s8] =	stream.linear.scatter [tilespmem:s30], [sflag:$0x1], $0x2000, $0x38;
	[tilespmem:$0x14100] =	vst v63  }
0x302: {  	_ =	swait.ge [sflag:s7], $0x2000  }
0x303: {  	s10 =	sadd.s32 $0x1, s10;
	s31 =	rddreg [dreg:$0x6]  }
0x304: {  	p0 =	sne.s32 s10, s31  }
.Ltmp1:
0x305: {  	_ = 	snop;
	(pc) =	sbr.rel @p0 .LBB2_1-.Ltmp1, $3  }
0x306: {  	_ =	sdelay $0x1  }
0x307: {  	[sflag:s7] =	ssyncset.done $0x0  }
0x308: {  	[sflag:s7] =	ssyncadd.s32 $0xFFFFE000  }
0x309: {  	_ =	sfence.sel $0x180000  }
0x30a: {  	[bflag:$0x0] =	sbarrier.arrive $0xFFFF  }
0x30b: {  	_ =	strace $0x90000047  }
0x30c: {  	s0 =	stileid.u32;
	[bflag:$0x2] =	sbarrier.arrive $0xFFFF  }
0x30d: {  	p0 =	sne.s32 s0, $0x0;
	s0 =	rddreg [dreg:$0x2]  }
0x30e: {  	s0 =	sadd.s32 @!p0 $0x100000, s0  }
0x30f: {  	[sflag:s0] =	ssyncadd.tile.s32 @!p0 $0x1;
	_ =	shalt  }
.Lfunc_end2:
_tile_overlayer_lowered:
.L_overlay_start_2:
0x310: {  	(tag) =	ssettag $0x2  }
0x311: {  	s0 =	rddreg [dreg:$0x0];
	s2 =	stileid.u32  }
0x312: {  	s1 =	rddreg [dreg:$0x1];
	p0 =	sne.s32 s2, $0x0  }
0x313: {  	s3 =	rddreg [dreg:$0x2];
	[bflag:$0x3] =	sbarrier.arrive $0xFFFF;
	s2 =	simm.s32 @!p0 $0x1C01  }
0x314: {  	[timem:s3], [sflag:s2] =	dma.local @!p0 [hbm:s0], s1  }
0x315: {  	s0 =	simm.s32 @!p0 $0x1  }
0x316: {  	_ =	swait.ge @!p0 [sflag:s0], s1  }
0x317: {  	s1 =	ssub.s32 @!p0 $0x0, s1;
	[sflag:s0] =	ssyncset.done @!p0 $0x0  }
0x318: {  	[sflag:s0] =	ssyncadd.s32 @!p0 s1  }
0x319: {  	[bflag:$0x3] =	sbarrier.arrive $0xFFFF  }
0x31a: {  	_ =	shalt  }

</sc_bundles>
